<compile_context>
chip_gen: v7x
topology: tpu7x:2x2x1
jax: 0.10.2.dev20260603
libtpu: 0.0.44.dev20260713+nightly
codegen_flags: <defaults>
</compile_context>

<pallas_src>
import functools

import jax
import jax.numpy as jnp
from jax import lax
from jax.experimental import pallas as pl
from jax.experimental.pallas import tpu as pltpu
from jax.experimental.pallas import tpu_sc as plsc

N = 10000
NP = 10240
E = 320000
EP = 327680
D = 128
H = 128
F = 64
C = 2
NC, NS = 2, 16
NW = NC * NS
CH = 128
NCHW = EP // CH // NW
NBUF = 2
PFD = 1
STRIPE = NP // NS
BLK = 512
G = NP // BLK

_mesh = plsc.VectorSubcoreMesh(
    core_axis_name="c", subcore_axis_name="s", num_cores=NC, num_subcores=NS)


def _lrelu(v):
    return jnp.where(v > 0, v, 0.01 * v)


@functools.partial(
    pl.kernel,
    out_type=jax.ShapeDtypeStruct((NC, NP), jnp.float32),
    mesh=_mesh,
    compiler_params=pltpu.CompilerParams(use_tc_tiling_on_sc=False),
    scratch_types=[
        pltpu.VMEM((NCHW, CH), jnp.int32),
        pltpu.VMEM((CH,), jnp.float32),
        pltpu.VMEM((STRIPE,), jnp.float32),
        pltpu.VMEM_SHARED((NP,), jnp.float32),
        pltpu.SemaphoreType.DMA,
    ],
)
def _deg_kernel(dst_hbm, out_hbm, didx, ones_v, zeros_v, acc, ssem):
    c = lax.axis_index("c")
    s = lax.axis_index("s")
    wid = s * NC + c

    def fill_ones(i, _):
        ones_v[pl.ds(i * 16, 16)] = jnp.ones((16,), jnp.float32)
        return 0
    lax.fori_loop(0, CH // 16, fill_ones, 0)

    def fill_zeros(i, _):
        zeros_v[pl.ds(i * 16, 16)] = jnp.zeros((16,), jnp.float32)
        return 0
    lax.fori_loop(0, STRIPE // 16, fill_zeros, 0)

    pltpu.sync_copy(zeros_v, acc.at[pl.ds(s * STRIPE, STRIPE)])
    pltpu.sync_copy(dst_hbm.at[pl.ds(wid * NCHW, NCHW)], didx)
    plsc.subcore_barrier()

    def swait():
        pltpu.make_async_copy(ones_v, acc.at[didx.at[0]], ssem).wait()

    DEPTH = 8

    def fire(k, _):
        pltpu.async_copy(ones_v, acc.at[didx.at[k]], ssem, add=True)

        @pl.when(k >= DEPTH)
        def _():
            swait()
        return 0
    lax.fori_loop(0, NCHW, fire, 0)

    def drain(k, _):
        swait()
        return 0
    lax.fori_loop(0, DEPTH, drain, 0)

    plsc.subcore_barrier()
    pltpu.sync_copy(acc.at[pl.ds(s * STRIPE, STRIPE)],
                    out_hbm.at[c, pl.ds(s * STRIPE, STRIPE)])


@functools.partial(
    pl.kernel,
    out_type=jax.ShapeDtypeStruct((NC, NP, F), jnp.float32),
    mesh=_mesh,
    compiler_params=pltpu.CompilerParams(use_tc_tiling_on_sc=False),
    scratch_types=[
        pltpu.VMEM((NCHW, CH), jnp.int32),
        pltpu.VMEM((NCHW, CH), jnp.int32),
        pltpu.VMEM((NBUF, CH, F), jnp.float32),
        pltpu.VMEM_SHARED((NP, F), jnp.float32),
        pltpu.VMEM_SHARED((NP, F), jnp.float32),
        pltpu.SemaphoreType.DMA,
        pltpu.SemaphoreType.DMA,
    ],
)
def _scatter_kernel(y_hbm, src_hbm, dst_hbm, out_hbm,
                    sidx, didx, rows, ytab, acc, gsem, ssem):
    c = lax.axis_index("c")
    s = lax.axis_index("s")
    wid = s * NC + c

    pltpu.sync_copy(y_hbm.at[pl.ds(s * STRIPE, STRIPE)],
                    ytab.at[pl.ds(s * STRIPE, STRIPE)])

    def fz(i, _):
        r = i // (F // 16)
        j = lax.rem(i, F // 16)
        rows[0, r, pl.ds(j * 16, 16)] = jnp.zeros((16,), jnp.float32)
        return 0
    lax.fori_loop(0, CH * (F // 16), fz, 0)

    def zcopy(i, _):
        pltpu.sync_copy(rows.at[0], acc.at[pl.ds(s * STRIPE + i * CH, CH)])
        return 0
    lax.fori_loop(0, STRIPE // CH, zcopy, 0)

    pltpu.sync_copy(src_hbm.at[pl.ds(wid * NCHW, NCHW)], sidx)
    pltpu.sync_copy(dst_hbm.at[pl.ds(wid * NCHW, NCHW)], didx)
    plsc.subcore_barrier()

    def gwait(b):
        pltpu.make_async_copy(ytab.at[sidx.at[0]], rows.at[b], gsem).wait()

    def swait():
        pltpu.make_async_copy(rows.at[0], acc.at[didx.at[0]], ssem).wait()

    def gissue(k, b):
        pltpu.async_copy(ytab.at[sidx.at[k]], rows.at[b], gsem)

    for b in range(PFD):
        gissue(b, b)

    def outer(ko, _):
        for b in range(NBUF):
            k = ko * NBUF + b
            gwait(b)
            pltpu.async_copy(rows.at[b], acc.at[didx.at[k]], ssem, add=True)
            if b >= NBUF - PFD:
                swait()
            else:
                @pl.when(ko >= 1)
                def _():
                    swait()

            @pl.when(k + PFD < NCHW)
            def _():
                gissue(k + PFD, (b + PFD) % NBUF)
        return 0
    lax.fori_loop(0, NCHW // NBUF, outer, 0,)

    for _ in range(NBUF - PFD):
        swait()
    plsc.subcore_barrier()
    pltpu.sync_copy(acc.at[pl.ds(s * STRIPE, STRIPE)],
                    out_hbm.at[c, pl.ds(s * STRIPE, STRIPE)])


def _tc1_body(x_ref, w1_ref, b1_ref, w2_ref, b2_ref, wg1_ref, degp_ref,
              y1_ref):
    h = _lrelu(jnp.dot(x_ref[...], w1_ref[...],
                       preferred_element_type=jnp.float32) + b1_ref[...])
    h = _lrelu(jnp.dot(h, w2_ref[...],
                       preferred_element_type=jnp.float32) + b2_ref[...])
    d = degp_ref[...]
    dinv = lax.rsqrt(d[0] + d[1] + 1.0)
    y1_ref[...] = jnp.dot(h, wg1_ref[...],
                          preferred_element_type=jnp.float32) * dinv


def _tc2_body(sp_ref, y1_ref, degp_ref, bg1_ref, wg2_ref, y2_ref):
    d = degp_ref[...]
    dinv = lax.rsqrt(d[0] + d[1] + 1.0)
    sp = sp_ref[...]
    h3 = _lrelu(dinv * (sp[0] + sp[1] + y1_ref[...]) + bg1_ref[...])
    y2_ref[...] = jnp.dot(h3, wg2_ref[...],
                          preferred_element_type=jnp.float32) * dinv


def _tc3_body(sp_ref, y2_ref, degp_ref, bg2_ref, wc_ref, bc_ref,
              logits_ref, h_ref):
    d = degp_ref[...]
    dinv = lax.rsqrt(d[0] + d[1] + 1.0)
    sp = sp_ref[...]
    h4 = _lrelu(dinv * (sp[0] + sp[1] + y2_ref[...]) + bg2_ref[...])
    h_ref[...] = h4
    logits_ref[...] = jnp.dot(h4, wc_ref[...],
                              preferred_element_type=jnp.float32) + bc_ref[...]


_full = lambda shape: pl.BlockSpec(shape, lambda i: tuple(0 for _ in shape))
_rows = lambda w: pl.BlockSpec((BLK, w), lambda i: (i, 0))
_degs = pl.BlockSpec((2, BLK, 1), lambda i: (0, i, 0))
_parts = pl.BlockSpec((2, BLK, F), lambda i: (0, i, 0))

_tc1 = pl.pallas_call(
    _tc1_body,
    grid=(G,),
    in_specs=[_rows(D), _full((D, H)), _full((1, H)), _full((H, F)),
              _full((1, F)), _full((F, F)), _degs],
    out_specs=_rows(F),
    out_shape=jax.ShapeDtypeStruct((NP, F), jnp.float32),
)

_tc2 = pl.pallas_call(
    _tc2_body,
    grid=(G,),
    in_specs=[_parts, _rows(F), _degs, _full((1, F)), _full((F, F))],
    out_specs=_rows(F),
    out_shape=jax.ShapeDtypeStruct((NP, F), jnp.float32),
)

_tc3 = pl.pallas_call(
    _tc3_body,
    grid=(G,),
    in_specs=[_parts, _rows(F), _degs, _full((1, F)), _full((F, C)),
              _full((1, C))],
    out_specs=[_rows(C), _rows(F)],
    out_shape=[jax.ShapeDtypeStruct((NP, C), jnp.float32),
               jax.ShapeDtypeStruct((NP, F), jnp.float32)],
)


def kernel(x, edge_index, W1, b1, W2, b2, Wg1, bg1, Wg2, bg2, Wc, bc):
    src = edge_index[0].astype(jnp.int32)
    dst = edge_index[1].astype(jnp.int32)
    src2d = jnp.pad(src, (0, EP - E)).reshape(EP // CH, CH)
    dst2d = jnp.pad(dst, (0, EP - E),
                    constant_values=N).reshape(EP // CH, CH)
    xp = jnp.pad(x, ((0, NP - N), (0, 0)))

    degp = _deg_kernel(dst2d)
    degp3 = degp.reshape(NC, NP, 1)

    y1 = _tc1(xp, W1, b1.reshape(1, H), W2, b2.reshape(1, F), Wg1, degp3)
    s1p = _scatter_kernel(y1, src2d, dst2d)
    y2 = _tc2(s1p, y1, degp3, bg1.reshape(1, F), Wg2)
    s2p = _scatter_kernel(y2, src2d, dst2d)
    logits, h = _tc3(s2p, y2, degp3, bg2.reshape(1, F), Wc,
                     bc.reshape(1, C))
    return logits[:N], h[:N]

# --- scband reference (transcript-rebuilt; emitter-appended) ---
"""Pipeline reference for scband-entropy-evaluator-87832081203316 (READ-ONLY COPY).

The authoritative reference and input builder live on the scoring server;
editing this copy changes nothing except your own understanding.
"""

import jax, jax.numpy as jnp
import numpy as np

N = 10000
E = 320000
D = 128
H = 128
HH = 64
C = 2


def leaky_relu(x, slope=0.01):
    return jnp.where(x > 0, x, slope * x)


def gcn_conv(x, W, b, src, dst, n):
    # PyG GCNConv: add self-loops, symmetric normalization, scatter-add aggregation
    xw = x @ W
    loop = jnp.arange(n, dtype=src.dtype)
    s = jnp.concatenate([src, loop])
    d = jnp.concatenate([dst, loop])
    deg = jax.ops.segment_sum(jnp.ones(s.shape[0], x.dtype), d, num_segments=n)
    dinv = jnp.where(deg > 0, 1.0 / jnp.sqrt(deg), 0.0)
    norm = dinv[s] * dinv[d]
    msg = xw[s] * norm[:, None]
    out = jax.ops.segment_sum(msg, d, num_segments=n)
    return out + b


def setup_inputs(seed: int = 0) -> dict:
    key = jax.random.key(seed)
    ks = jax.random.split(key, 12)
    x = jax.random.normal(ks[0], (N, D), dtype=jnp.float32)
    edge_index = jax.random.randint(ks[1], (2, E), 0, N).astype(jnp.int64)
    W1 = jax.random.normal(ks[2], (D, H), dtype=jnp.float32) * 0.05
    b1 = jnp.zeros((H,), jnp.float32)
    W2 = jax.random.normal(ks[3], (H, HH), dtype=jnp.float32) * 0.05
    b2 = jnp.zeros((HH,), jnp.float32)
    Wg1 = jax.random.normal(ks[4], (HH, HH), dtype=jnp.float32) * 0.05
    bg1 = jnp.zeros((HH,), jnp.float32)
    Wg2 = jax.random.normal(ks[5], (HH, HH), dtype=jnp.float32) * 0.05
    bg2 = jnp.zeros((HH,), jnp.float32)
    Wc = jax.random.normal(ks[6], (HH, C), dtype=jnp.float32) * 0.05
    bc = jnp.zeros((C,), jnp.float32)
    return {"x": x, "edge_index": edge_index, "W1": W1, "b1": b1, "W2": W2, "b2": b2,
            "Wg1": Wg1, "bg1": bg1, "Wg2": Wg2, "bg2": bg2, "Wc": Wc, "bc": bc}


def reference(x, edge_index, W1, b1, W2, b2, Wg1, bg1, Wg2, bg2, Wc, bc):
    # encoder (dropout is eval-mode no-op)
    h = leaky_relu(x @ W1 + b1)
    h = leaky_relu(h @ W2 + b2)
    src = edge_index[0]
    dst = edge_index[1]
    n = x.shape[0]
    h = leaky_relu(gcn_conv(h, Wg1, bg1, src, dst, n))
    h = leaky_relu(gcn_conv(h, Wg2, bg2, src, dst, n))
    logits = h @ Wc + bc
    return (logits, h)

if __name__ == "__main__":
    import jax
    _d = setup_inputs()
    print(jax.jit(kernel)(*tuple(_d.values())))

</pallas_src>

<mosaic_0001>
#map = affine_map<(d0, d1) -> (0, 0)>
#map1 = affine_map<(d0, d1) -> (0, 0, 0)>
module attributes {stable_mosaic.version = 14 : i64} {
  func.func @_scatter_kernel(%arg0: i32, %arg1: i32, %arg2: memref<10240x64xf32, #tpu.memory_space<hbm>>, %arg3: memref<2560x128xi32, #tpu.memory_space<hbm>>, %arg4: memref<2560x128xi32, #tpu.memory_space<hbm>>, %arg5: memref<2x10240x64xf32, #tpu.memory_space<hbm>>, %arg6: memref<80x128xi32, #tpu.memory_space<vmem>>, %arg7: memref<80x128xi32, #tpu.memory_space<vmem>>, %arg8: memref<2x128x64xf32, #tpu.memory_space<vmem>>, %arg9: memref<10240x64xf32, #tpu.memory_space<vmem_shared>>, %arg10: memref<10240x64xf32, #tpu.memory_space<vmem_shared>>, %arg11: memref<!tpu.dma_semaphore, #tpu.memory_space<semaphore_mem>>, %arg12: memref<!tpu.dma_semaphore, #tpu.memory_space<semaphore_mem>>) attributes {dimension_semantics = [#tpu.dimension_semantics<core_parallel>, #tpu.dimension_semantics<subcore_parallel>], iteration_bounds = array<i64: 2, 16>, scalar_prefetch = 0 : i64, scratch_operands = 7 : i64, tpu.core_type = #tpu.core_type<sc_vector_subcore>, window_params = [{transform_indices = #map}, {transform_indices = #map}, {transform_indices = #map}, {transform_indices = #map1}]} {
    %mul3A = arith.constant 2 : i32
    %mul3A_0 = arith.muli %arg1, %mul3A : i32
    %add3A = arith.addi %mul3A_0, %arg0 : i32
    %mul3A_1 = arith.constant 640 : i32
    %mul3A_2 = arith.muli %arg1, %mul3A_1 : i32
    %mul3A_3 = arith.constant 640 : i32
    %mul3A_4 = arith.muli %arg1, %mul3A_3 : i32
    "tpu.region"() ({
      %run_scoped3A = tpu.sem_alloc : memref<!tpu.dma_semaphore, #tpu.memory_space<semaphore_mem>>
      %dma_start3A_56 = arith.constant 0 : i32
      %dma_start3A_57 = tpu.memref_slice %arg9[%mul3A_4, %dma_start3A_56] : memref<10240x64xf32, #tpu.memory_space<vmem_shared>> -> memref<640x64xf32, #tpu.memory_space<vmem_shared>>
      %dma_start3A_58 = arith.constant 0 : i32
      %dma_start3A_59 = tpu.memref_slice %arg2[%mul3A_2, %dma_start3A_58] : memref<10240x64xf32, #tpu.memory_space<hbm>> -> memref<640x64xf32, #tpu.memory_space<hbm>>
      tpu.enqueue_dma source(%dma_start3A_59 : memref<640x64xf32, #tpu.memory_space<hbm>>) target(%dma_start3A_57 : memref<640x64xf32, #tpu.memory_space<vmem_shared>>) target_semaphore(%run_scoped3A : memref<!tpu.dma_semaphore, #tpu.memory_space<semaphore_mem>>)
      %dma_wait3A_60 = arith.constant 0 : i32
      %dma_wait3A_61 = tpu.memref_slice %arg9[%mul3A_4, %dma_wait3A_60] : memref<10240x64xf32, #tpu.memory_space<vmem_shared>> -> memref<640x64xf32, #tpu.memory_space<vmem_shared>>
      %dma_wait3A_62 = arith.constant 0 : i32
      %dma_wait3A_63 = tpu.memref_slice %arg2[%mul3A_2, %dma_wait3A_62] : memref<10240x64xf32, #tpu.memory_space<hbm>> -> memref<640x64xf32, #tpu.memory_space<hbm>>
      tpu.wait_dma2 semaphore(%run_scoped3A : memref<!tpu.dma_semaphore, #tpu.memory_space<semaphore_mem>>) src(%dma_wait3A_63 : memref<640x64xf32, #tpu.memory_space<hbm>>) dst(%dma_wait3A_61 : memref<640x64xf32, #tpu.memory_space<vmem_shared>>)
      tpu.yield
    }) : () -> ()
    %scan3A = arith.constant 0 : i32
    %scan3A_5 = arith.constant 0 : i32
    %scan3A_6 = arith.constant 512 : i32
    %scan3A_7 = arith.addi %scan3A_5, %scan3A_6 : i32
    %scan3A_8 = arith.constant 1 : i32
    %scan3A_9 = scf.for %scan3A_56 = %scan3A_5 to %scan3A_7 step %scan3A_8 iter_args(%scan3A_57 = %scan3A) -> (i32)  : i32 {
      %jit3A = arith.constant 4 : i32
      %div3A = arith.divsi %scan3A_56, %jit3A : i32
      %sign3A = arith.constant 0 : i32
      %sign3A_58 = arith.cmpi sgt, %scan3A_56, %sign3A : i32
      %sign3A_59 = arith.extui %sign3A_58 : i1 to i32
      %sign3A_60 = arith.constant 0 : i32
      %sign3A_61 = arith.cmpi slt, %scan3A_56, %sign3A_60 : i32
      %sign3A_62 = arith.extui %sign3A_61 : i1 to i32
      %sign3A_63 = arith.subi %sign3A_59, %sign3A_62 : i32
      %sign3A_64 = arith.constant 0 : i32
      %sign3A_65 = arith.cmpi sgt, %jit3A, %sign3A_64 : i32
      %sign3A_66 = arith.extui %sign3A_65 : i1 to i32
      %sign3A_67 = arith.constant 0 : i32
      %sign3A_68 = arith.cmpi slt, %jit3A, %sign3A_67 : i32
      %sign3A_69 = arith.extui %sign3A_68 : i1 to i32
      %sign3A_70 = arith.subi %sign3A_66, %sign3A_69 : i32
      %ne3A = arith.cmpi ne, %sign3A_63, %sign3A_70 : i32
      %rem3A = arith.remsi %scan3A_56, %jit3A : i32
      %ne3A_71 = arith.constant 0 : i32
      %ne3A_72 = arith.cmpi ne, %rem3A, %ne3A_71 : i32
      %and3A = arith.andi %ne3A, %ne3A_72 : i1
      %sub3A = arith.constant 1 : i32
      %sub3A_73 = arith.subi %div3A, %sub3A : i32
      %select_n3A = arith.select %and3A, %sub3A_73, %div3A : i32
      %rem3A_74 = arith.constant 4 : i32
      %rem3A_75 = arith.remsi %scan3A_56, %rem3A_74 : i32
      %broadcast_in_dim3A = arith.constant 0.000000e+00 : f32
      %broadcast_in_dim3A_76 = vector.broadcast %broadcast_in_dim3A : f32 to vector<16xf32>
      %mul3A_77 = arith.constant 16 : i32
      %mul3A_78 = arith.muli %rem3A_75, %mul3A_77 : i32
      %swap3A = arith.constant 0 : i32
      %swap3A_79 = arith.index_cast %swap3A : i32 to index
      %swap3A_80 = arith.index_cast %select_n3A : i32 to index
      %swap3A_81 = arith.index_cast %mul3A_78 : i32 to index
      %swap3A_82 = tpu.vector_load %arg8[%swap3A_79, %swap3A_80, %swap3A_81] {strides = array<i32>} : memref<2x128x64xf32, #tpu.memory_space<vmem>>, vector<1x1x16xf32>,
      %swap3A_83 = vector.shape_cast %swap3A_82 : vector<1x1x16xf32> to vector<16xf32>
      %swap3A_84 = vector.shape_cast %broadcast_in_dim3A_76 : vector<16xf32> to vector<1x1x16xf32>
      tpu.vector_store %arg8[%swap3A_79, %swap3A_80, %swap3A_81], %swap3A_84 {strides = array<i32>} : memref<2x128x64xf32, #tpu.memory_space<vmem>>, vector<1x1x16xf32>,
      %scan3A_85 = arith.constant 0 : i32
      scf.yield %scan3A_85 : i32
    }
    %scan3A_10 = arith.constant 512 : i32
    %scan3A_11 = arith.constant 0 : i32
    %scan3A_12 = arith.constant 0 : i32
    %scan3A_13 = arith.constant 5 : i32
    %scan3A_14 = arith.addi %scan3A_12, %scan3A_13 : i32
    %scan3A_15 = arith.constant 1 : i32
    %scan3A_16 = scf.for %scan3A_56 = %scan3A_12 to %scan3A_14 step %scan3A_15 iter_args(%scan3A_57 = %scan3A_11) -> (i32)  : i32 {
      %mul3A_58 = arith.constant 640 : i32
      %mul3A_59 = arith.muli %arg1, %mul3A_58 : i32
      %mul3A_60 = arith.constant 128 : i32
      %mul3A_61 = arith.muli %scan3A_56, %mul3A_60 : i32
      %add3A_62 = arith.addi %mul3A_59, %mul3A_61 : i32
      %run_scoped3A = arith.constant 0 : i32
      "tpu.region"() ({
        %run_scoped3A_64 = tpu.sem_alloc : memref<!tpu.dma_semaphore, #tpu.memory_space<semaphore_mem>>
        %dma_start3A_65 = arith.constant 0 : i32
        %dma_start3A_66 = arith.constant 0 : i32
        %dma_start3A_67 = tpu.memref_slice %arg8[%run_scoped3A, %dma_start3A_65, %dma_start3A_66] : memref<2x128x64xf32, #tpu.memory_space<vmem>> -> memref<1x128x64xf32, #tpu.memory_space<vmem>>
        %dma_start3A_68 = tpu.memref_squeeze %dma_start3A_67 : memref<1x128x64xf32, #tpu.memory_space<vmem>> -> memref<128x64xf32, #tpu.memory_space<vmem>>
        %dma_start3A_69 = arith.constant 0 : i32
        %dma_start3A_70 = tpu.memref_slice %arg10[%add3A_62, %dma_start3A_69] : memref<10240x64xf32, #tpu.memory_space<vmem_shared>> -> memref<128x64xf32, #tpu.memory_space<vmem_shared>>
        %dma_start3A_71 = arith.constant 0 : i32
        %dma_start3A_72 = tpu.memref_slice %arg10[%add3A_62, %dma_start3A_71] : memref<10240x64xf32, #tpu.memory_space<vmem_shared>> -> memref<128x64xf32, #tpu.memory_space<vmem_shared>>
        %dma_start3A_73 = arith.constant 0 : i32
        %dma_start3A_74 = arith.constant 0 : i32
        %dma_start3A_75 = tpu.memref_slice %arg8[%run_scoped3A, %dma_start3A_73, %dma_start3A_74] : memref<2x128x64xf32, #tpu.memory_space<vmem>> -> memref<1x128x64xf32, #tpu.memory_space<vmem>>
        %dma_start3A_76 = tpu.memref_squeeze %dma_start3A_75 : memref<1x128x64xf32, #tpu.memory_space<vmem>> -> memref<128x64xf32, #tpu.memory_space<vmem>>
        tpu.enqueue_dma source(%dma_start3A_76 : memref<128x64xf32, #tpu.memory_space<vmem>>) target(%dma_start3A_72 : memref<128x64xf32, #tpu.memory_space<vmem_shared>>) target_semaphore(%run_scoped3A_64 : memref<!tpu.dma_semaphore, #tpu.memory_space<semaphore_mem>>)
        %dma_wait3A_77 = arith.constant 0 : i32
        %dma_wait3A_78 = arith.constant 0 : i32
        %dma_wait3A_79 = tpu.memref_slice %arg8[%run_scoped3A, %dma_wait3A_77, %dma_wait3A_78] : memref<2x128x64xf32, #tpu.memory_space<vmem>> -> memref<1x128x64xf32, #tpu.memory_space<vmem>>
        %dma_wait3A_80 = tpu.memref_squeeze %dma_wait3A_79 : memref<1x128x64xf32, #tpu.memory_space<vmem>> -> memref<128x64xf32, #tpu.memory_space<vmem>>
        %dma_wait3A_81 = arith.constant 0 : i32
        %dma_wait3A_82 = tpu.memref_slice %arg10[%add3A_62, %dma_wait3A_81] : memref<10240x64xf32, #tpu.memory_space<vmem_shared>> -> memref<128x64xf32, #tpu.memory_space<vmem_shared>>
        %dma_wait3A_83 = arith.constant 0 : i32
        %dma_wait3A_84 = tpu.memref_slice %arg10[%add3A_62, %dma_wait3A_83] : memref<10240x64xf32, #tpu.memory_space<vmem_shared>> -> memref<128x64xf32, #tpu.memory_space<vmem_shared>>
        %dma_wait3A_85 = arith.constant 0 : i32
        %dma_wait3A_86 = arith.constant 0 : i32
        %dma_wait3A_87 = tpu.memref_slice %arg8[%run_scoped3A, %dma_wait3A_85, %dma_wait3A_86] : memref<2x128x64xf32, #tpu.memory_space<vmem>> -> memref<1x128x64xf32, #tpu.memory_space<vmem>>
        %dma_wait3A_88 = tpu.memref_squeeze %dma_wait3A_87 : memref<1x128x64xf32, #tpu.memory_space<vmem>> -> memref<128x64xf32, #tpu.memory_space<vmem>>
        tpu.wait_dma2 semaphore(%run_scoped3A_64 : memref<!tpu.dma_semaphore, #tpu.memory_space<semaphore_mem>>) src(%dma_wait3A_88 : memref<128x64xf32, #tpu.memory_space<vmem>>) dst(%dma_wait3A_84 : memref<128x64xf32, #tpu.memory_space<vmem_shared>>)
        tpu.yield
      }) : () -> ()
      %scan3A_63 = arith.constant 0 : i32
      scf.yield %scan3A_63 : i32
    }
    %scan3A_17 = arith.constant 5 : i32
    %mul3A_18 = arith.constant 80 : i32
    %mul3A_19 = arith.muli %add3A, %mul3A_18 : i32
    "tpu.region"() ({
      %run_scoped3A = tpu.sem_alloc : memref<!tpu.dma_semaphore, #tpu.memory_space<semaphore_mem>>
      %dma_start3A_56 = arith.constant 0 : i32
      %dma_start3A_57 = tpu.memref_slice %arg3[%mul3A_19, %dma_start3A_56] : memref<2560x128xi32, #tpu.memory_space<hbm>> -> memref<80x128xi32, #tpu.memory_space<hbm>>
      %dma_start3A_58 = arith.constant 0 : i32
      %dma_start3A_59 = tpu.memref_slice %arg3[%mul3A_19, %dma_start3A_58] : memref<2560x128xi32, #tpu.memory_space<hbm>> -> memref<80x128xi32, #tpu.memory_space<hbm>>
      tpu.enqueue_dma source(%dma_start3A_59 : memref<80x128xi32, #tpu.memory_space<hbm>>) target(%arg6 : memref<80x128xi32, #tpu.memory_space<vmem>>) target_semaphore(%run_scoped3A : memref<!tpu.dma_semaphore, #tpu.memory_space<semaphore_mem>>)
      %dma_wait3A_60 = arith.constant 0 : i32
      %dma_wait3A_61 = tpu.memref_slice %arg3[%mul3A_19, %dma_wait3A_60] : memref<2560x128xi32, #tpu.memory_space<hbm>> -> memref<80x128xi32, #tpu.memory_space<hbm>>
      %dma_wait3A_62 = arith.constant 0 : i32
      %dma_wait3A_63 = tpu.memref_slice %arg3[%mul3A_19, %dma_wait3A_62] : memref<2560x128xi32, #tpu.memory_space<hbm>> -> memref<80x128xi32, #tpu.memory_space<hbm>>
      tpu.wait_dma2 semaphore(%run_scoped3A : memref<!tpu.dma_semaphore, #tpu.memory_space<semaphore_mem>>) src(%dma_wait3A_63 : memref<80x128xi32, #tpu.memory_space<hbm>>) dst(%arg6 : memref<80x128xi32, #tpu.memory_space<vmem>>)
      tpu.yield
    }) : () -> ()
    %mul3A_20 = arith.constant 80 : i32
    %mul3A_21 = arith.muli %add3A, %mul3A_20 : i32
    "tpu.region"() ({
      %run_scoped3A = tpu.sem_alloc : memref<!tpu.dma_semaphore, #tpu.memory_space<semaphore_mem>>
      %dma_start3A_56 = arith.constant 0 : i32
      %dma_start3A_57 = tpu.memref_slice %arg4[%mul3A_21, %dma_start3A_56] : memref<2560x128xi32, #tpu.memory_space<hbm>> -> memref<80x128xi32, #tpu.memory_space<hbm>>
      %dma_start3A_58 = arith.constant 0 : i32
      %dma_start3A_59 = tpu.memref_slice %arg4[%mul3A_21, %dma_start3A_58] : memref<2560x128xi32, #tpu.memory_space<hbm>> -> memref<80x128xi32, #tpu.memory_space<hbm>>
      tpu.enqueue_dma source(%dma_start3A_59 : memref<80x128xi32, #tpu.memory_space<hbm>>) target(%arg7 : memref<80x128xi32, #tpu.memory_space<vmem>>) target_semaphore(%run_scoped3A : memref<!tpu.dma_semaphore, #tpu.memory_space<semaphore_mem>>)
      %dma_wait3A_60 = arith.constant 0 : i32
      %dma_wait3A_61 = tpu.memref_slice %arg4[%mul3A_21, %dma_wait3A_60] : memref<2560x128xi32, #tpu.memory_space<hbm>> -> memref<80x128xi32, #tpu.memory_space<hbm>>
      %dma_wait3A_62 = arith.constant 0 : i32
      %dma_wait3A_63 = tpu.memref_slice %arg4[%mul3A_21, %dma_wait3A_62] : memref<2560x128xi32, #tpu.memory_space<hbm>> -> memref<80x128xi32, #tpu.memory_space<hbm>>
      tpu.wait_dma2 semaphore(%run_scoped3A : memref<!tpu.dma_semaphore, #tpu.memory_space<semaphore_mem>>) src(%dma_wait3A_63 : memref<80x128xi32, #tpu.memory_space<hbm>>) dst(%arg7 : memref<80x128xi32, #tpu.memory_space<vmem>>)
      tpu.yield
    }) : () -> ()
    %barrier3A = arith.constant 0 : index
    tpu.barrier barrier_id(%barrier3A)
    %dma_start3A = arith.constant 0 : i32
    %dma_start3A_22 = arith.constant 0 : i32
    %dma_start3A_23 = arith.constant 0 : i32
    %dma_start3A_24 = arith.constant 0 : i32
    %dma_start3A_25 = tpu.memref_slice %arg8[%dma_start3A_22, %dma_start3A_23, %dma_start3A_24] : memref<2x128x64xf32, #tpu.memory_space<vmem>> -> memref<1x128x64xf32, #tpu.memory_space<vmem>>
    %dma_start3A_26 = tpu.memref_squeeze %dma_start3A_25 : memref<1x128x64xf32, #tpu.memory_space<vmem>> -> memref<128x64xf32, #tpu.memory_space<vmem>>
    %dma_start3A_27 = arith.constant 0 : i32
    %dma_start3A_28 = tpu.memref_slice %arg6[%dma_start3A, %dma_start3A_27] : memref<80x128xi32, #tpu.memory_space<vmem>> -> memref<1x128xi32, #tpu.memory_space<vmem>>
    %dma_start3A_29 = tpu.memref_squeeze %dma_start3A_28 : memref<1x128xi32, #tpu.memory_space<vmem>> -> memref<128xi32, #tpu.memory_space<vmem>>
    %dma_start3A_30 = arith.constant 0 : i32
    %dma_start3A_31 = arith.constant 0 : i32
    %dma_start3A_32 = tpu.memref_slice %arg9[%dma_start3A_30, %dma_start3A_31] : memref<10240x64xf32, #tpu.memory_space<vmem_shared>> -> memref<10240x64xf32, #tpu.memory_space<vmem_shared>>
    tpu.enqueue_indirect_dma source(%dma_start3A_32 : memref<10240x64xf32, #tpu.memory_space<vmem_shared>>) target(%dma_start3A_26 : memref<128x64xf32, #tpu.memory_space<vmem>>) offsets(%dma_start3A_29 : memref<128xi32, #tpu.memory_space<vmem>>) semaphore(%arg11 : memref<!tpu.dma_semaphore, #tpu.memory_space<semaphore_mem>>)
    %scan3A_33 = arith.constant 0 : i32
    %scan3A_34 = arith.constant 0 : i32
    %scan3A_35 = arith.constant 40 : i32
    %scan3A_36 = arith.addi %scan3A_34, %scan3A_35 : i32
    %scan3A_37 = arith.constant 1 : i32
    %scan3A_38 = scf.for %scan3A_56 = %scan3A_34 to %scan3A_36 step %scan3A_37 iter_args(%scan3A_57 = %scan3A_33) -> (i32)  : i32 {
      %mul3A_58 = arith.constant 2 : i32
      %mul3A_59 = arith.muli %scan3A_56, %mul3A_58 : i32
      %add3A_60 = arith.constant 0 : i32
      %add3A_61 = arith.addi %mul3A_59, %add3A_60 : i32
      %dma_wait3A_62 = arith.constant 0 : i32
      %dma_wait3A_63 = arith.constant 0 : i32
      %dma_wait3A_64 = arith.constant 0 : i32
      %dma_wait3A_65 = arith.constant 0 : i32
      %dma_wait3A_66 = tpu.memref_slice %arg8[%dma_wait3A_63, %dma_wait3A_64, %dma_wait3A_65] : memref<2x128x64xf32, #tpu.memory_space<vmem>> -> memref<1x128x64xf32, #tpu.memory_space<vmem>>
      %dma_wait3A_67 = tpu.memref_squeeze %dma_wait3A_66 : memref<1x128x64xf32, #tpu.memory_space<vmem>> -> memref<128x64xf32, #tpu.memory_space<vmem>>
      %dma_wait3A_68 = arith.constant 0 : i32
      %dma_wait3A_69 = tpu.memref_slice %arg6[%dma_wait3A_62, %dma_wait3A_68] : memref<80x128xi32, #tpu.memory_space<vmem>> -> memref<1x128xi32, #tpu.memory_space<vmem>>
      %dma_wait3A_70 = tpu.memref_squeeze %dma_wait3A_69 : memref<1x128xi32, #tpu.memory_space<vmem>> -> memref<128xi32, #tpu.memory_space<vmem>>
      %dma_wait3A_71 = arith.constant 0 : i32
      %dma_wait3A_72 = arith.constant 0 : i32
      %dma_wait3A_73 = tpu.memref_slice %arg9[%dma_wait3A_71, %dma_wait3A_72] : memref<10240x64xf32, #tpu.memory_space<vmem_shared>> -> memref<10240x64xf32, #tpu.memory_space<vmem_shared>>
      tpu.wait_indirect_dma semaphore(%arg11 : memref<!tpu.dma_semaphore, #tpu.memory_space<semaphore_mem>>) src(%dma_wait3A_73 : memref<10240x64xf32, #tpu.memory_space<vmem_shared>>) dst(%dma_wait3A_67 : memref<128x64xf32, #tpu.memory_space<vmem>>)
      %dma_start3A_74 = arith.constant 0 : i32
      %dma_start3A_75 = arith.constant 0 : i32
      %dma_start3A_76 = arith.constant 0 : i32
      %dma_start3A_77 = tpu.memref_slice %arg8[%dma_start3A_74, %dma_start3A_75, %dma_start3A_76] : memref<2x128x64xf32, #tpu.memory_space<vmem>> -> memref<1x128x64xf32, #tpu.memory_space<vmem>>
      %dma_start3A_78 = tpu.memref_squeeze %dma_start3A_77 : memref<1x128x64xf32, #tpu.memory_space<vmem>> -> memref<128x64xf32, #tpu.memory_space<vmem>>
      %dma_start3A_79 = arith.constant 0 : i32
      %dma_start3A_80 = tpu.memref_slice %arg7[%add3A_61, %dma_start3A_79] : memref<80x128xi32, #tpu.memory_space<vmem>> -> memref<1x128xi32, #tpu.memory_space<vmem>>
      %dma_start3A_81 = tpu.memref_squeeze %dma_start3A_80 : memref<1x128xi32, #tpu.memory_space<vmem>> -> memref<128xi32, #tpu.memory_space<vmem>>
      %dma_start3A_82 = arith.constant 0 : i32
      %dma_start3A_83 = arith.constant 0 : i32
      %dma_start3A_84 = tpu.memref_slice %arg10[%dma_start3A_82, %dma_start3A_83] : memref<10240x64xf32, #tpu.memory_space<vmem_shared>> -> memref<10240x64xf32, #tpu.memory_space<vmem_shared>>
      tpu.enqueue_indirect_dma source(%dma_start3A_78 : memref<128x64xf32, #tpu.memory_space<vmem>>) target(%dma_start3A_84 : memref<10240x64xf32, #tpu.memory_space<vmem_shared>>) offsets(%dma_start3A_81 : memref<128xi32, #tpu.memory_space<vmem>>) semaphore(%arg12 : memref<!tpu.dma_semaphore, #tpu.memory_space<semaphore_mem>>) {add = true}
      %ge3A = arith.constant 1 : i32
      %ge3A_85 = arith.cmpi sge, %scan3A_56, %ge3A : i32
      %convert_element_type3A = arith.extui %ge3A_85 : i1 to i32
      %cond3A = arith.constant 0 : i32
      %cond3A_86 = arith.cmpi ne, %convert_element_type3A, %cond3A : i32
      scf.if %cond3A_86 {
        %dma_wait3A_140 = arith.constant 0 : i32
        %dma_wait3A_141 = arith.constant 0 : i32
        %dma_wait3A_142 = arith.constant 0 : i32
        %dma_wait3A_143 = arith.constant 0 : i32
        %dma_wait3A_144 = tpu.memref_slice %arg8[%dma_wait3A_140, %dma_wait3A_142, %dma_wait3A_143] : memref<2x128x64xf32, #tpu.memory_space<vmem>> -> memref<1x128x64xf32, #tpu.memory_space<vmem>>
        %dma_wait3A_145 = tpu.memref_squeeze %dma_wait3A_144 : memref<1x128x64xf32, #tpu.memory_space<vmem>> -> memref<128x64xf32, #tpu.memory_space<vmem>>
        %dma_wait3A_146 = arith.constant 0 : i32
        %dma_wait3A_147 = tpu.memref_slice %arg7[%dma_wait3A_141, %dma_wait3A_146] : memref<80x128xi32, #tpu.memory_space<vmem>> -> memref<1x128xi32, #tpu.memory_space<vmem>>
        %dma_wait3A_148 = tpu.memref_squeeze %dma_wait3A_147 : memref<1x128xi32, #tpu.memory_space<vmem>> -> memref<128xi32, #tpu.memory_space<vmem>>
        %dma_wait3A_149 = arith.constant 0 : i32
        %dma_wait3A_150 = arith.constant 0 : i32
        %dma_wait3A_151 = tpu.memref_slice %arg10[%dma_wait3A_149, %dma_wait3A_150] : memref<10240x64xf32, #tpu.memory_space<vmem_shared>> -> memref<10240x64xf32, #tpu.memory_space<vmem_shared>>
        tpu.wait_indirect_dma semaphore(%arg12 : memref<!tpu.dma_semaphore, #tpu.memory_space<semaphore_mem>>) src(%dma_wait3A_145 : memref<128x64xf32, #tpu.memory_space<vmem>>) dst(%dma_wait3A_151 : memref<10240x64xf32, #tpu.memory_space<vmem_shared>>)
      } else {
      }
      %add3A_87 = arith.constant 1 : i32
      %add3A_88 = arith.addi %add3A_61, %add3A_87 : i32
      %lt3A = arith.constant 80 : i32
      %lt3A_89 = arith.cmpi slt, %add3A_88, %lt3A : i32
      %convert_element_type3A_90 = arith.extui %lt3A_89 : i1 to i32
      %cond3A_91 = arith.constant 0 : i32
      %cond3A_92 = arith.cmpi ne, %convert_element_type3A_90, %cond3A_91 : i32
      scf.if %cond3A_92 {
        %add3A_140 = arith.constant 1 : i32
        %add3A_141 = arith.addi %add3A_61, %add3A_140 : i32
        %dma_start3A_142 = arith.constant 1 : i32
        %dma_start3A_143 = arith.constant 0 : i32
        %dma_start3A_144 = arith.constant 0 : i32
        %dma_start3A_145 = tpu.memref_slice %arg8[%dma_start3A_142, %dma_start3A_143, %dma_start3A_144] : memref<2x128x64xf32, #tpu.memory_space<vmem>> -> memref<1x128x64xf32, #tpu.memory_space<vmem>>
        %dma_start3A_146 = tpu.memref_squeeze %dma_start3A_145 : memref<1x128x64xf32, #tpu.memory_space<vmem>> -> memref<128x64xf32, #tpu.memory_space<vmem>>
        %dma_start3A_147 = arith.constant 0 : i32
        %dma_start3A_148 = tpu.memref_slice %arg6[%add3A_141, %dma_start3A_147] : memref<80x128xi32, #tpu.memory_space<vmem>> -> memref<1x128xi32, #tpu.memory_space<vmem>>
        %dma_start3A_149 = tpu.memref_squeeze %dma_start3A_148 : memref<1x128xi32, #tpu.memory_space<vmem>> -> memref<128xi32, #tpu.memory_space<vmem>>
        %dma_start3A_150 = arith.constant 0 : i32
        %dma_start3A_151 = arith.constant 0 : i32
        %dma_start3A_152 = tpu.memref_slice %arg9[%dma_start3A_150, %dma_start3A_151] : memref<10240x64xf32, #tpu.memory_space<vmem_shared>> -> memref<10240x64xf32, #tpu.memory_space<vmem_shared>>
        tpu.enqueue_indirect_dma source(%dma_start3A_152 : memref<10240x64xf32, #tpu.memory_space<vmem_shared>>) target(%dma_start3A_146 : memref<128x64xf32, #tpu.memory_space<vmem>>) offsets(%dma_start3A_149 : memref<128xi32, #tpu.memory_space<vmem>>) semaphore(%arg11 : memref<!tpu.dma_semaphore, #tpu.memory_space<semaphore_mem>>)
      } else {
      }
      %mul3A_93 = arith.constant 2 : i32
      %mul3A_94 = arith.muli %scan3A_56, %mul3A_93 : i32
      %add3A_95 = arith.constant 1 : i32
      %add3A_96 = arith.addi %mul3A_94, %add3A_95 : i32
      %dma_wait3A_97 = arith.constant 0 : i32
      %dma_wait3A_98 = arith.constant 1 : i32
      %dma_wait3A_99 = arith.constant 0 : i32
      %dma_wait3A_100 = arith.constant 0 : i32
      %dma_wait3A_101 = tpu.memref_slice %arg8[%dma_wait3A_98, %dma_wait3A_99, %dma_wait3A_100] : memref<2x128x64xf32, #tpu.memory_space<vmem>> -> memref<1x128x64xf32, #tpu.memory_space<vmem>>
      %dma_wait3A_102 = tpu.memref_squeeze %dma_wait3A_101 : memref<1x128x64xf32, #tpu.memory_space<vmem>> -> memref<128x64xf32, #tpu.memory_space<vmem>>
      %dma_wait3A_103 = arith.constant 0 : i32
      %dma_wait3A_104 = tpu.memref_slice %arg6[%dma_wait3A_97, %dma_wait3A_103] : memref<80x128xi32, #tpu.memory_space<vmem>> -> memref<1x128xi32, #tpu.memory_space<vmem>>
      %dma_wait3A_105 = tpu.memref_squeeze %dma_wait3A_104 : memref<1x128xi32, #tpu.memory_space<vmem>> -> memref<128xi32, #tpu.memory_space<vmem>>
      %dma_wait3A_106 = arith.constant 0 : i32
      %dma_wait3A_107 = arith.constant 0 : i32
      %dma_wait3A_108 = tpu.memref_slice %arg9[%dma_wait3A_106, %dma_wait3A_107] : memref<10240x64xf32, #tpu.memory_space<vmem_shared>> -> memref<10240x64xf32, #tpu.memory_space<vmem_shared>>
      tpu.wait_indirect_dma semaphore(%arg11 : memref<!tpu.dma_semaphore, #tpu.memory_space<semaphore_mem>>) src(%dma_wait3A_108 : memref<10240x64xf32, #tpu.memory_space<vmem_shared>>) dst(%dma_wait3A_102 : memref<128x64xf32, #tpu.memory_space<vmem>>)
      %dma_start3A_109 = arith.constant 1 : i32
      %dma_start3A_110 = arith.constant 0 : i32
      %dma_start3A_111 = arith.constant 0 : i32
      %dma_start3A_112 = tpu.memref_slice %arg8[%dma_start3A_109, %dma_start3A_110, %dma_start3A_111] : memref<2x128x64xf32, #tpu.memory_space<vmem>> -> memref<1x128x64xf32, #tpu.memory_space<vmem>>
      %dma_start3A_113 = tpu.memref_squeeze %dma_start3A_112 : memref<1x128x64xf32, #tpu.memory_space<vmem>> -> memref<128x64xf32, #tpu.memory_space<vmem>>
      %dma_start3A_114 = arith.constant 0 : i32
      %dma_start3A_115 = tpu.memref_slice %arg7[%add3A_96, %dma_start3A_114] : memref<80x128xi32, #tpu.memory_space<vmem>> -> memref<1x128xi32, #tpu.memory_space<vmem>>
      %dma_start3A_116 = tpu.memref_squeeze %dma_start3A_115 : memref<1x128xi32, #tpu.memory_space<vmem>> -> memref<128xi32, #tpu.memory_space<vmem>>
      %dma_start3A_117 = arith.constant 0 : i32
      %dma_start3A_118 = arith.constant 0 : i32
      %dma_start3A_119 = tpu.memref_slice %arg10[%dma_start3A_117, %dma_start3A_118] : memref<10240x64xf32, #tpu.memory_space<vmem_shared>> -> memref<10240x64xf32, #tpu.memory_space<vmem_shared>>
      tpu.enqueue_indirect_dma source(%dma_start3A_113 : memref<128x64xf32, #tpu.memory_space<vmem>>) target(%dma_start3A_119 : memref<10240x64xf32, #tpu.memory_space<vmem_shared>>) offsets(%dma_start3A_116 : memref<128xi32, #tpu.memory_space<vmem>>) semaphore(%arg12 : memref<!tpu.dma_semaphore, #tpu.memory_space<semaphore_mem>>) {add = true}
      %dma_wait3A_120 = arith.constant 0 : i32
      %dma_wait3A_121 = arith.constant 0 : i32
      %dma_wait3A_122 = arith.constant 0 : i32
      %dma_wait3A_123 = arith.constant 0 : i32
      %dma_wait3A_124 = tpu.memref_slice %arg8[%dma_wait3A_120, %dma_wait3A_122, %dma_wait3A_123] : memref<2x128x64xf32, #tpu.memory_space<vmem>> -> memref<1x128x64xf32, #tpu.memory_space<vmem>>
      %dma_wait3A_125 = tpu.memref_squeeze %dma_wait3A_124 : memref<1x128x64xf32, #tpu.memory_space<vmem>> -> memref<128x64xf32, #tpu.memory_space<vmem>>
      %dma_wait3A_126 = arith.constant 0 : i32
      %dma_wait3A_127 = tpu.memref_slice %arg7[%dma_wait3A_121, %dma_wait3A_126] : memref<80x128xi32, #tpu.memory_space<vmem>> -> memref<1x128xi32, #tpu.memory_space<vmem>>
      %dma_wait3A_128 = tpu.memref_squeeze %dma_wait3A_127 : memref<1x128xi32, #tpu.memory_space<vmem>> -> memref<128xi32, #tpu.memory_space<vmem>>
      %dma_wait3A_129 = arith.constant 0 : i32
      %dma_wait3A_130 = arith.constant 0 : i32
      %dma_wait3A_131 = tpu.memref_slice %arg10[%dma_wait3A_129, %dma_wait3A_130] : memref<10240x64xf32, #tpu.memory_space<vmem_shared>> -> memref<10240x64xf32, #tpu.memory_space<vmem_shared>>
      tpu.wait_indirect_dma semaphore(%arg12 : memref<!tpu.dma_semaphore, #tpu.memory_space<semaphore_mem>>) src(%dma_wait3A_125 : memref<128x64xf32, #tpu.memory_space<vmem>>) dst(%dma_wait3A_131 : memref<10240x64xf32, #tpu.memory_space<vmem_shared>>)
      %add3A_132 = arith.constant 1 : i32
      %add3A_133 = arith.addi %add3A_96, %add3A_132 : i32
      %lt3A_134 = arith.constant 80 : i32
      %lt3A_135 = arith.cmpi slt, %add3A_133, %lt3A_134 : i32
      %convert_element_type3A_136 = arith.extui %lt3A_135 : i1 to i32
      %cond3A_137 = arith.constant 0 : i32
      %cond3A_138 = arith.cmpi ne, %convert_element_type3A_136, %cond3A_137 : i32
      scf.if %cond3A_138 {
        %add3A_140 = arith.constant 1 : i32
        %add3A_141 = arith.addi %add3A_96, %add3A_140 : i32
        %dma_start3A_142 = arith.constant 0 : i32
        %dma_start3A_143 = arith.constant 0 : i32
        %dma_start3A_144 = arith.constant 0 : i32
        %dma_start3A_145 = tpu.memref_slice %arg8[%dma_start3A_142, %dma_start3A_143, %dma_start3A_144] : memref<2x128x64xf32, #tpu.memory_space<vmem>> -> memref<1x128x64xf32, #tpu.memory_space<vmem>>
        %dma_start3A_146 = tpu.memref_squeeze %dma_start3A_145 : memref<1x128x64xf32, #tpu.memory_space<vmem>> -> memref<128x64xf32, #tpu.memory_space<vmem>>
        %dma_start3A_147 = arith.constant 0 : i32
        %dma_start3A_148 = tpu.memref_slice %arg6[%add3A_141, %dma_start3A_147] : memref<80x128xi32, #tpu.memory_space<vmem>> -> memref<1x128xi32, #tpu.memory_space<vmem>>
        %dma_start3A_149 = tpu.memref_squeeze %dma_start3A_148 : memref<1x128xi32, #tpu.memory_space<vmem>> -> memref<128xi32, #tpu.memory_space<vmem>>
        %dma_start3A_150 = arith.constant 0 : i32
        %dma_start3A_151 = arith.constant 0 : i32
        %dma_start3A_152 = tpu.memref_slice %arg9[%dma_start3A_150, %dma_start3A_151] : memref<10240x64xf32, #tpu.memory_space<vmem_shared>> -> memref<10240x64xf32, #tpu.memory_space<vmem_shared>>
        tpu.enqueue_indirect_dma source(%dma_start3A_152 : memref<10240x64xf32, #tpu.memory_space<vmem_shared>>) target(%dma_start3A_146 : memref<128x64xf32, #tpu.memory_space<vmem>>) offsets(%dma_start3A_149 : memref<128xi32, #tpu.memory_space<vmem>>) semaphore(%arg11 : memref<!tpu.dma_semaphore, #tpu.memory_space<semaphore_mem>>)
      } else {
      }
      %scan3A_139 = arith.constant 0 : i32
      scf.yield %scan3A_139 : i32
    }
    %scan3A_39 = arith.constant 40 : i32
    %dma_wait3A = arith.constant 0 : i32
    %dma_wait3A_40 = arith.constant 0 : i32
    %dma_wait3A_41 = arith.constant 0 : i32
    %dma_wait3A_42 = arith.constant 0 : i32
    %dma_wait3A_43 = tpu.memref_slice %arg8[%dma_wait3A, %dma_wait3A_41, %dma_wait3A_42] : memref<2x128x64xf32, #tpu.memory_space<vmem>> -> memref<1x128x64xf32, #tpu.memory_space<vmem>>
    %dma_wait3A_44 = tpu.memref_squeeze %dma_wait3A_43 : memref<1x128x64xf32, #tpu.memory_space<vmem>> -> memref<128x64xf32, #tpu.memory_space<vmem>>
    %dma_wait3A_45 = arith.constant 0 : i32
    %dma_wait3A_46 = tpu.memref_slice %arg7[%dma_wait3A_40, %dma_wait3A_45] : memref<80x128xi32, #tpu.memory_space<vmem>> -> memref<1x128xi32, #tpu.memory_space<vmem>>
    %dma_wait3A_47 = tpu.memref_squeeze %dma_wait3A_46 : memref<1x128xi32, #tpu.memory_space<vmem>> -> memref<128xi32, #tpu.memory_space<vmem>>
    %dma_wait3A_48 = arith.constant 0 : i32
    %dma_wait3A_49 = arith.constant 0 : i32
    %dma_wait3A_50 = tpu.memref_slice %arg10[%dma_wait3A_48, %dma_wait3A_49] : memref<10240x64xf32, #tpu.memory_space<vmem_shared>> -> memref<10240x64xf32, #tpu.memory_space<vmem_shared>>
    tpu.wait_indirect_dma semaphore(%arg12 : memref<!tpu.dma_semaphore, #tpu.memory_space<semaphore_mem>>) src(%dma_wait3A_44 : memref<128x64xf32, #tpu.memory_space<vmem>>) dst(%dma_wait3A_50 : memref<10240x64xf32, #tpu.memory_space<vmem_shared>>)
    %barrier3A_51 = arith.constant 0 : index
    tpu.barrier barrier_id(%barrier3A_51)
    %mul3A_52 = arith.constant 640 : i32
    %mul3A_53 = arith.muli %arg1, %mul3A_52 : i32
    %mul3A_54 = arith.constant 640 : i32
    %mul3A_55 = arith.muli %arg1, %mul3A_54 : i32
    "tpu.region"() ({
      %run_scoped3A = tpu.sem_alloc : memref<!tpu.dma_semaphore, #tpu.memory_space<semaphore_mem>>
      %dma_start3A_56 = arith.constant 0 : i32
      %dma_start3A_57 = tpu.memref_slice %arg5[%arg0, %mul3A_55, %dma_start3A_56] : memref<2x10240x64xf32, #tpu.memory_space<hbm>> -> memref<1x640x64xf32, #tpu.memory_space<hbm>>
      %dma_start3A_58 = tpu.memref_squeeze %dma_start3A_57 : memref<1x640x64xf32, #tpu.memory_space<hbm>> -> memref<640x64xf32, #tpu.memory_space<hbm>>
      %dma_start3A_59 = arith.constant 0 : i32
      %dma_start3A_60 = tpu.memref_slice %arg10[%mul3A_53, %dma_start3A_59] : memref<10240x64xf32, #tpu.memory_space<vmem_shared>> -> memref<640x64xf32, #tpu.memory_space<vmem_shared>>
      tpu.enqueue_dma source(%dma_start3A_60 : memref<640x64xf32, #tpu.memory_space<vmem_shared>>) target(%dma_start3A_58 : memref<640x64xf32, #tpu.memory_space<hbm>>) target_semaphore(%run_scoped3A : memref<!tpu.dma_semaphore, #tpu.memory_space<semaphore_mem>>)
      %dma_wait3A_61 = arith.constant 0 : i32
      %dma_wait3A_62 = tpu.memref_slice %arg5[%arg0, %mul3A_55, %dma_wait3A_61] : memref<2x10240x64xf32, #tpu.memory_space<hbm>> -> memref<1x640x64xf32, #tpu.memory_space<hbm>>
      %dma_wait3A_63 = tpu.memref_squeeze %dma_wait3A_62 : memref<1x640x64xf32, #tpu.memory_space<hbm>> -> memref<640x64xf32, #tpu.memory_space<hbm>>
      %dma_wait3A_64 = arith.constant 0 : i32
      %dma_wait3A_65 = tpu.memref_slice %arg10[%mul3A_53, %dma_wait3A_64] : memref<10240x64xf32, #tpu.memory_space<vmem_shared>> -> memref<640x64xf32, #tpu.memory_space<vmem_shared>>
      tpu.wait_dma2 semaphore(%run_scoped3A : memref<!tpu.dma_semaphore, #tpu.memory_space<semaphore_mem>>) src(%dma_wait3A_65 : memref<640x64xf32, #tpu.memory_space<vmem_shared>>) dst(%dma_wait3A_63 : memref<640x64xf32, #tpu.memory_space<hbm>>)
      tpu.yield
    }) : () -> ()
    return
  }
}

#map = affine_map<(d0, d1) -> (0, 0)>
module attributes {stable_mosaic.version = 14 : i64} {
  func.func @_deg_kernel(%arg0: i32, %arg1: i32, %arg2: memref<2560x128xi32, #tpu.memory_space<hbm>>, %arg3: memref<2x10240xf32, #tpu.memory_space<hbm>>, %arg4: memref<80x128xi32, #tpu.memory_space<vmem>>, %arg5: memref<128xf32, #tpu.memory_space<vmem>>, %arg6: memref<640xf32, #tpu.memory_space<vmem>>, %arg7: memref<10240xf32, #tpu.memory_space<vmem_shared>>, %arg8: memref<!tpu.dma_semaphore, #tpu.memory_space<semaphore_mem>>) attributes {dimension_semantics = [#tpu.dimension_semantics<core_parallel>, #tpu.dimension_semantics<subcore_parallel>], iteration_bounds = array<i64: 2, 16>, scalar_prefetch = 0 : i64, scratch_operands = 5 : i64, tpu.core_type = #tpu.core_type<sc_vector_subcore>, window_params = [{transform_indices = #map}, {transform_indices = #map}]} {
    %mul3A = arith.constant 2 : i32
    %mul3A_0 = arith.muli %arg1, %mul3A : i32
    %add3A = arith.addi %mul3A_0, %arg0 : i32
    %scan3A = arith.constant 0 : i32
    %scan3A_1 = arith.constant 0 : i32
    %scan3A_2 = arith.constant 8 : i32
    %scan3A_3 = arith.addi %scan3A_1, %scan3A_2 : i32
    %scan3A_4 = arith.constant 1 : i32
    %scan3A_5 = scf.for %scan3A_37 = %scan3A_1 to %scan3A_3 step %scan3A_4 iter_args(%scan3A_38 = %scan3A) -> (i32)  : i32 {
      %broadcast_in_dim3A = arith.constant 1.000000e+00 : f32
      %broadcast_in_dim3A_39 = vector.broadcast %broadcast_in_dim3A : f32 to vector<16xf32>
      %mul3A_40 = arith.constant 16 : i32
      %mul3A_41 = arith.muli %scan3A_37, %mul3A_40 : i32
      %swap3A = arith.index_cast %mul3A_41 : i32 to index
      %swap3A_42 = tpu.vector_load %arg5[%swap3A] {strides = array<i32>} : memref<128xf32, #tpu.memory_space<vmem>>, vector<16xf32>,
      %swap3A_43 = vector.shape_cast %swap3A_42 : vector<16xf32> to vector<16xf32>
      %swap3A_44 = vector.shape_cast %broadcast_in_dim3A_39 : vector<16xf32> to vector<16xf32>
      tpu.vector_store %arg5[%swap3A], %swap3A_44 {strides = array<i32>} : memref<128xf32, #tpu.memory_space<vmem>>, vector<16xf32>,
      %scan3A_45 = arith.constant 0 : i32
      scf.yield %scan3A_45 : i32
    }
    %scan3A_6 = arith.constant 8 : i32
    %scan3A_7 = arith.constant 0 : i32
    %scan3A_8 = arith.constant 0 : i32
    %scan3A_9 = arith.constant 40 : i32
    %scan3A_10 = arith.addi %scan3A_8, %scan3A_9 : i32
    %scan3A_11 = arith.constant 1 : i32
    %scan3A_12 = scf.for %scan3A_37 = %scan3A_8 to %scan3A_10 step %scan3A_11 iter_args(%scan3A_38 = %scan3A_7) -> (i32)  : i32 {
      %broadcast_in_dim3A = arith.constant 0.000000e+00 : f32
      %broadcast_in_dim3A_39 = vector.broadcast %broadcast_in_dim3A : f32 to vector<16xf32>
      %mul3A_40 = arith.constant 16 : i32
      %mul3A_41 = arith.muli %scan3A_37, %mul3A_40 : i32
      %swap3A = arith.index_cast %mul3A_41 : i32 to index
      %swap3A_42 = tpu.vector_load %arg6[%swap3A] {strides = array<i32>} : memref<640xf32, #tpu.memory_space<vmem>>, vector<16xf32>,
      %swap3A_43 = vector.shape_cast %swap3A_42 : vector<16xf32> to vector<16xf32>
      %swap3A_44 = vector.shape_cast %broadcast_in_dim3A_39 : vector<16xf32> to vector<16xf32>
      tpu.vector_store %arg6[%swap3A], %swap3A_44 {strides = array<i32>} : memref<640xf32, #tpu.memory_space<vmem>>, vector<16xf32>,
      %scan3A_45 = arith.constant 0 : i32
      scf.yield %scan3A_45 : i32
    }
    %scan3A_13 = arith.constant 40 : i32
    %mul3A_14 = arith.constant 640 : i32
    %mul3A_15 = arith.muli %arg1, %mul3A_14 : i32
    "tpu.region"() ({
      %run_scoped3A = tpu.sem_alloc : memref<!tpu.dma_semaphore, #tpu.memory_space<semaphore_mem>>
      %dma_start3A = tpu.memref_slice %arg7[%mul3A_15] : memref<10240xf32, #tpu.memory_space<vmem_shared>> -> memref<640xf32, #tpu.memory_space<vmem_shared>>
      %dma_start3A_37 = tpu.memref_slice %arg7[%mul3A_15] : memref<10240xf32, #tpu.memory_space<vmem_shared>> -> memref<640xf32, #tpu.memory_space<vmem_shared>>
      tpu.enqueue_dma source(%arg6 : memref<640xf32, #tpu.memory_space<vmem>>) target(%dma_start3A_37 : memref<640xf32, #tpu.memory_space<vmem_shared>>) target_semaphore(%run_scoped3A : memref<!tpu.dma_semaphore, #tpu.memory_space<semaphore_mem>>)
      %dma_wait3A = tpu.memref_slice %arg7[%mul3A_15] : memref<10240xf32, #tpu.memory_space<vmem_shared>> -> memref<640xf32, #tpu.memory_space<vmem_shared>>
      %dma_wait3A_38 = tpu.memref_slice %arg7[%mul3A_15] : memref<10240xf32, #tpu.memory_space<vmem_shared>> -> memref<640xf32, #tpu.memory_space<vmem_shared>>
      tpu.wait_dma2 semaphore(%run_scoped3A : memref<!tpu.dma_semaphore, #tpu.memory_space<semaphore_mem>>) src(%arg6 : memref<640xf32, #tpu.memory_space<vmem>>) dst(%dma_wait3A_38 : memref<640xf32, #tpu.memory_space<vmem_shared>>)
      tpu.yield
    }) : () -> ()
    %mul3A_16 = arith.constant 80 : i32
    %mul3A_17 = arith.muli %add3A, %mul3A_16 : i32
    "tpu.region"() ({
      %run_scoped3A = tpu.sem_alloc : memref<!tpu.dma_semaphore, #tpu.memory_space<semaphore_mem>>
      %dma_start3A = arith.constant 0 : i32
      %dma_start3A_37 = tpu.memref_slice %arg2[%mul3A_17, %dma_start3A] : memref<2560x128xi32, #tpu.memory_space<hbm>> -> memref<80x128xi32, #tpu.memory_space<hbm>>
      %dma_start3A_38 = arith.constant 0 : i32
      %dma_start3A_39 = tpu.memref_slice %arg2[%mul3A_17, %dma_start3A_38] : memref<2560x128xi32, #tpu.memory_space<hbm>> -> memref<80x128xi32, #tpu.memory_space<hbm>>
      tpu.enqueue_dma source(%dma_start3A_39 : memref<80x128xi32, #tpu.memory_space<hbm>>) target(%arg4 : memref<80x128xi32, #tpu.memory_space<vmem>>) target_semaphore(%run_scoped3A : memref<!tpu.dma_semaphore, #tpu.memory_space<semaphore_mem>>)
      %dma_wait3A = arith.constant 0 : i32
      %dma_wait3A_40 = tpu.memref_slice %arg2[%mul3A_17, %dma_wait3A] : memref<2560x128xi32, #tpu.memory_space<hbm>> -> memref<80x128xi32, #tpu.memory_space<hbm>>
      %dma_wait3A_41 = arith.constant 0 : i32
      %dma_wait3A_42 = tpu.memref_slice %arg2[%mul3A_17, %dma_wait3A_41] : memref<2560x128xi32, #tpu.memory_space<hbm>> -> memref<80x128xi32, #tpu.memory_space<hbm>>
      tpu.wait_dma2 semaphore(%run_scoped3A : memref<!tpu.dma_semaphore, #tpu.memory_space<semaphore_mem>>) src(%dma_wait3A_42 : memref<80x128xi32, #tpu.memory_space<hbm>>) dst(%arg4 : memref<80x128xi32, #tpu.memory_space<vmem>>)
      tpu.yield
    }) : () -> ()
    %barrier3A = arith.constant 0 : index
    tpu.barrier barrier_id(%barrier3A)
    %scan3A_18 = arith.constant 0 : i32
    %scan3A_19 = arith.constant 0 : i32
    %scan3A_20 = arith.constant 80 : i32
    %scan3A_21 = arith.addi %scan3A_19, %scan3A_20 : i32
    %scan3A_22 = arith.constant 1 : i32
    %scan3A_23 = scf.for %scan3A_37 = %scan3A_19 to %scan3A_21 step %scan3A_22 iter_args(%scan3A_38 = %scan3A_18) -> (i32)  : i32 {
      %dma_start3A = arith.constant 0 : i32
      %dma_start3A_39 = tpu.memref_slice %arg4[%scan3A_37, %dma_start3A] : memref<80x128xi32, #tpu.memory_space<vmem>> -> memref<1x128xi32, #tpu.memory_space<vmem>>
      %dma_start3A_40 = tpu.memref_squeeze %dma_start3A_39 : memref<1x128xi32, #tpu.memory_space<vmem>> -> memref<128xi32, #tpu.memory_space<vmem>>
      %dma_start3A_41 = arith.constant 0 : i32
      %dma_start3A_42 = tpu.memref_slice %arg7[%dma_start3A_41] : memref<10240xf32, #tpu.memory_space<vmem_shared>> -> memref<10240xf32, #tpu.memory_space<vmem_shared>>
      tpu.enqueue_indirect_dma source(%arg5 : memref<128xf32, #tpu.memory_space<vmem>>) target(%dma_start3A_42 : memref<10240xf32, #tpu.memory_space<vmem_shared>>) offsets(%dma_start3A_40 : memref<128xi32, #tpu.memory_space<vmem>>) semaphore(%arg8 : memref<!tpu.dma_semaphore, #tpu.memory_space<semaphore_mem>>) {add = true}
      %ge3A = arith.constant 8 : i32
      %ge3A_43 = arith.cmpi sge, %scan3A_37, %ge3A : i32
      %convert_element_type3A = arith.extui %ge3A_43 : i1 to i32
      %cond3A = arith.constant 0 : i32
      %cond3A_44 = arith.cmpi ne, %convert_element_type3A, %cond3A : i32
      scf.if %cond3A_44 {
        %dma_wait3A = arith.constant 0 : i32
        %dma_wait3A_46 = arith.constant 0 : i32
        %dma_wait3A_47 = tpu.memref_slice %arg4[%dma_wait3A, %dma_wait3A_46] : memref<80x128xi32, #tpu.memory_space<vmem>> -> memref<1x128xi32, #tpu.memory_space<vmem>>
        %dma_wait3A_48 = tpu.memref_squeeze %dma_wait3A_47 : memref<1x128xi32, #tpu.memory_space<vmem>> -> memref<128xi32, #tpu.memory_space<vmem>>
        %dma_wait3A_49 = arith.constant 0 : i32
        %dma_wait3A_50 = tpu.memref_slice %arg7[%dma_wait3A_49] : memref<10240xf32, #tpu.memory_space<vmem_shared>> -> memref<10240xf32, #tpu.memory_space<vmem_shared>>
        tpu.wait_indirect_dma semaphore(%arg8 : memref<!tpu.dma_semaphore, #tpu.memory_space<semaphore_mem>>) src(%arg5 : memref<128xf32, #tpu.memory_space<vmem>>) dst(%dma_wait3A_50 : memref<10240xf32, #tpu.memory_space<vmem_shared>>)
      } else {
      }
      %scan3A_45 = arith.constant 0 : i32
      scf.yield %scan3A_45 : i32
    }
    %scan3A_24 = arith.constant 80 : i32
    %scan3A_25 = arith.constant 0 : i32
    %scan3A_26 = arith.constant 0 : i32
    %scan3A_27 = arith.constant 8 : i32
    %scan3A_28 = arith.addi %scan3A_26, %scan3A_27 : i32
    %scan3A_29 = arith.constant 1 : i32
    %scan3A_30 = scf.for %scan3A_37 = %scan3A_26 to %scan3A_28 step %scan3A_29 iter_args(%scan3A_38 = %scan3A_25) -> (i32)  : i32 {
      %dma_wait3A = arith.constant 0 : i32
      %dma_wait3A_39 = arith.constant 0 : i32
      %dma_wait3A_40 = tpu.memref_slice %arg4[%dma_wait3A, %dma_wait3A_39] : memref<80x128xi32, #tpu.memory_space<vmem>> -> memref<1x128xi32, #tpu.memory_space<vmem>>
      %dma_wait3A_41 = tpu.memref_squeeze %dma_wait3A_40 : memref<1x128xi32, #tpu.memory_space<vmem>> -> memref<128xi32, #tpu.memory_space<vmem>>
      %dma_wait3A_42 = arith.constant 0 : i32
      %dma_wait3A_43 = tpu.memref_slice %arg7[%dma_wait3A_42] : memref<10240xf32, #tpu.memory_space<vmem_shared>> -> memref<10240xf32, #tpu.memory_space<vmem_shared>>
      tpu.wait_indirect_dma semaphore(%arg8 : memref<!tpu.dma_semaphore, #tpu.memory_space<semaphore_mem>>) src(%arg5 : memref<128xf32, #tpu.memory_space<vmem>>) dst(%dma_wait3A_43 : memref<10240xf32, #tpu.memory_space<vmem_shared>>)
      %scan3A_44 = arith.constant 0 : i32
      scf.yield %scan3A_44 : i32
    }
    %scan3A_31 = arith.constant 8 : i32
    %barrier3A_32 = arith.constant 0 : index
    tpu.barrier barrier_id(%barrier3A_32)
    %mul3A_33 = arith.constant 640 : i32
    %mul3A_34 = arith.muli %arg1, %mul3A_33 : i32
    %mul3A_35 = arith.constant 640 : i32
    %mul3A_36 = arith.muli %arg1, %mul3A_35 : i32
    "tpu.region"() ({
      %run_scoped3A = tpu.sem_alloc : memref<!tpu.dma_semaphore, #tpu.memory_space<semaphore_mem>>
      %dma_start3A = tpu.memref_slice %arg3[%arg0, %mul3A_36] : memref<2x10240xf32, #tpu.memory_space<hbm>> -> memref<1x640xf32, #tpu.memory_space<hbm>>
      %dma_start3A_37 = tpu.memref_squeeze %dma_start3A : memref<1x640xf32, #tpu.memory_space<hbm>> -> memref<640xf32, #tpu.memory_space<hbm>>
      %dma_start3A_38 = tpu.memref_slice %arg7[%mul3A_34] : memref<10240xf32, #tpu.memory_space<vmem_shared>> -> memref<640xf32, #tpu.memory_space<vmem_shared>>
      tpu.enqueue_dma source(%dma_start3A_38 : memref<640xf32, #tpu.memory_space<vmem_shared>>) target(%dma_start3A_37 : memref<640xf32, #tpu.memory_space<hbm>>) target_semaphore(%run_scoped3A : memref<!tpu.dma_semaphore, #tpu.memory_space<semaphore_mem>>)
      %dma_wait3A = tpu.memref_slice %arg3[%arg0, %mul3A_36] : memref<2x10240xf32, #tpu.memory_space<hbm>> -> memref<1x640xf32, #tpu.memory_space<hbm>>
      %dma_wait3A_39 = tpu.memref_squeeze %dma_wait3A : memref<1x640xf32, #tpu.memory_space<hbm>> -> memref<640xf32, #tpu.memory_space<hbm>>
      %dma_wait3A_40 = tpu.memref_slice %arg7[%mul3A_34] : memref<10240xf32, #tpu.memory_space<vmem_shared>> -> memref<640xf32, #tpu.memory_space<vmem_shared>>
      tpu.wait_dma2 semaphore(%run_scoped3A : memref<!tpu.dma_semaphore, #tpu.memory_space<semaphore_mem>>) src(%dma_wait3A_40 : memref<640xf32, #tpu.memory_space<vmem_shared>>) dst(%dma_wait3A_39 : memref<640xf32, #tpu.memory_space<hbm>>)
      tpu.yield
    }) : () -> ()
    return
  }
}

#map = affine_map<(d0, d1) -> (0, 0)>
#map1 = affine_map<(d0, d1) -> (0, 0, 0)>
module attributes {stable_mosaic.version = 14 : i64} {
  func.func @_scatter_kernel(%arg0: i32, %arg1: i32, %arg2: memref<10240x64xf32, #tpu.memory_space<hbm>>, %arg3: memref<2560x128xi32, #tpu.memory_space<hbm>>, %arg4: memref<2560x128xi32, #tpu.memory_space<hbm>>, %arg5: memref<2x10240x64xf32, #tpu.memory_space<hbm>>, %arg6: memref<80x128xi32, #tpu.memory_space<vmem>>, %arg7: memref<80x128xi32, #tpu.memory_space<vmem>>, %arg8: memref<2x128x64xf32, #tpu.memory_space<vmem>>, %arg9: memref<10240x64xf32, #tpu.memory_space<vmem_shared>>, %arg10: memref<10240x64xf32, #tpu.memory_space<vmem_shared>>, %arg11: memref<!tpu.dma_semaphore, #tpu.memory_space<semaphore_mem>>, %arg12: memref<!tpu.dma_semaphore, #tpu.memory_space<semaphore_mem>>) attributes {dimension_semantics = [#tpu.dimension_semantics<core_parallel>, #tpu.dimension_semantics<subcore_parallel>], iteration_bounds = array<i64: 2, 16>, scalar_prefetch = 0 : i64, scratch_operands = 7 : i64, tpu.core_type = #tpu.core_type<sc_vector_subcore>, window_params = [{transform_indices = #map}, {transform_indices = #map}, {transform_indices = #map}, {transform_indices = #map1}]} {
    %mul3A = arith.constant 2 : i32
    %mul3A_0 = arith.muli %arg1, %mul3A : i32
    %add3A = arith.addi %mul3A_0, %arg0 : i32
    %mul3A_1 = arith.constant 640 : i32
    %mul3A_2 = arith.muli %arg1, %mul3A_1 : i32
    %mul3A_3 = arith.constant 640 : i32
    %mul3A_4 = arith.muli %arg1, %mul3A_3 : i32
    "tpu.region"() ({
      %run_scoped3A = tpu.sem_alloc : memref<!tpu.dma_semaphore, #tpu.memory_space<semaphore_mem>>
      %dma_start3A_56 = arith.constant 0 : i32
      %dma_start3A_57 = tpu.memref_slice %arg9[%mul3A_4, %dma_start3A_56] : memref<10240x64xf32, #tpu.memory_space<vmem_shared>> -> memref<640x64xf32, #tpu.memory_space<vmem_shared>>
      %dma_start3A_58 = arith.constant 0 : i32
      %dma_start3A_59 = tpu.memref_slice %arg2[%mul3A_2, %dma_start3A_58] : memref<10240x64xf32, #tpu.memory_space<hbm>> -> memref<640x64xf32, #tpu.memory_space<hbm>>
      tpu.enqueue_dma source(%dma_start3A_59 : memref<640x64xf32, #tpu.memory_space<hbm>>) target(%dma_start3A_57 : memref<640x64xf32, #tpu.memory_space<vmem_shared>>) target_semaphore(%run_scoped3A : memref<!tpu.dma_semaphore, #tpu.memory_space<semaphore_mem>>)
      %dma_wait3A_60 = arith.constant 0 : i32
      %dma_wait3A_61 = tpu.memref_slice %arg9[%mul3A_4, %dma_wait3A_60] : memref<10240x64xf32, #tpu.memory_space<vmem_shared>> -> memref<640x64xf32, #tpu.memory_space<vmem_shared>>
      %dma_wait3A_62 = arith.constant 0 : i32
      %dma_wait3A_63 = tpu.memref_slice %arg2[%mul3A_2, %dma_wait3A_62] : memref<10240x64xf32, #tpu.memory_space<hbm>> -> memref<640x64xf32, #tpu.memory_space<hbm>>
      tpu.wait_dma2 semaphore(%run_scoped3A : memref<!tpu.dma_semaphore, #tpu.memory_space<semaphore_mem>>) src(%dma_wait3A_63 : memref<640x64xf32, #tpu.memory_space<hbm>>) dst(%dma_wait3A_61 : memref<640x64xf32, #tpu.memory_space<vmem_shared>>)
      tpu.yield
    }) : () -> ()
    %scan3A = arith.constant 0 : i32
    %scan3A_5 = arith.constant 0 : i32
    %scan3A_6 = arith.constant 512 : i32
    %scan3A_7 = arith.addi %scan3A_5, %scan3A_6 : i32
    %scan3A_8 = arith.constant 1 : i32
    %scan3A_9 = scf.for %scan3A_56 = %scan3A_5 to %scan3A_7 step %scan3A_8 iter_args(%scan3A_57 = %scan3A) -> (i32)  : i32 {
      %jit3A = arith.constant 4 : i32
      %div3A = arith.divsi %scan3A_56, %jit3A : i32
      %sign3A = arith.constant 0 : i32
      %sign3A_58 = arith.cmpi sgt, %scan3A_56, %sign3A : i32
      %sign3A_59 = arith.extui %sign3A_58 : i1 to i32
      %sign3A_60 = arith.constant 0 : i32
      %sign3A_61 = arith.cmpi slt, %scan3A_56, %sign3A_60 : i32
      %sign3A_62 = arith.extui %sign3A_61 : i1 to i32
      %sign3A_63 = arith.subi %sign3A_59, %sign3A_62 : i32
      %sign3A_64 = arith.constant 0 : i32
      %sign3A_65 = arith.cmpi sgt, %jit3A, %sign3A_64 : i32
      %sign3A_66 = arith.extui %sign3A_65 : i1 to i32
      %sign3A_67 = arith.constant 0 : i32
      %sign3A_68 = arith.cmpi slt, %jit3A, %sign3A_67 : i32
      %sign3A_69 = arith.extui %sign3A_68 : i1 to i32
      %sign3A_70 = arith.subi %sign3A_66, %sign3A_69 : i32
      %ne3A = arith.cmpi ne, %sign3A_63, %sign3A_70 : i32
      %rem3A = arith.remsi %scan3A_56, %jit3A : i32
      %ne3A_71 = arith.constant 0 : i32
      %ne3A_72 = arith.cmpi ne, %rem3A, %ne3A_71 : i32
      %and3A = arith.andi %ne3A, %ne3A_72 : i1
      %sub3A = arith.constant 1 : i32
      %sub3A_73 = arith.subi %div3A, %sub3A : i32
      %select_n3A = arith.select %and3A, %sub3A_73, %div3A : i32
      %rem3A_74 = arith.constant 4 : i32
      %rem3A_75 = arith.remsi %scan3A_56, %rem3A_74 : i32
      %broadcast_in_dim3A = arith.constant 0.000000e+00 : f32
      %broadcast_in_dim3A_76 = vector.broadcast %broadcast_in_dim3A : f32 to vector<16xf32>
      %mul3A_77 = arith.constant 16 : i32
      %mul3A_78 = arith.muli %rem3A_75, %mul3A_77 : i32
      %swap3A = arith.constant 0 : i32
      %swap3A_79 = arith.index_cast %swap3A : i32 to index
      %swap3A_80 = arith.index_cast %select_n3A : i32 to index
      %swap3A_81 = arith.index_cast %mul3A_78 : i32 to index
      %swap3A_82 = tpu.vector_load %arg8[%swap3A_79, %swap3A_80, %swap3A_81] {strides = array<i32>} : memref<2x128x64xf32, #tpu.memory_space<vmem>>, vector<1x1x16xf32>,
      %swap3A_83 = vector.shape_cast %swap3A_82 : vector<1x1x16xf32> to vector<16xf32>
      %swap3A_84 = vector.shape_cast %broadcast_in_dim3A_76 : vector<16xf32> to vector<1x1x16xf32>
      tpu.vector_store %arg8[%swap3A_79, %swap3A_80, %swap3A_81], %swap3A_84 {strides = array<i32>} : memref<2x128x64xf32, #tpu.memory_space<vmem>>, vector<1x1x16xf32>,
      %scan3A_85 = arith.constant 0 : i32
      scf.yield %scan3A_85 : i32
    }
    %scan3A_10 = arith.constant 512 : i32
    %scan3A_11 = arith.constant 0 : i32
    %scan3A_12 = arith.constant 0 : i32
    %scan3A_13 = arith.constant 5 : i32
    %scan3A_14 = arith.addi %scan3A_12, %scan3A_13 : i32
    %scan3A_15 = arith.constant 1 : i32
    %scan3A_16 = scf.for %scan3A_56 = %scan3A_12 to %scan3A_14 step %scan3A_15 iter_args(%scan3A_57 = %scan3A_11) -> (i32)  : i32 {
      %mul3A_58 = arith.constant 640 : i32
      %mul3A_59 = arith.muli %arg1, %mul3A_58 : i32
      %mul3A_60 = arith.constant 128 : i32
      %mul3A_61 = arith.muli %scan3A_56, %mul3A_60 : i32
      %add3A_62 = arith.addi %mul3A_59, %mul3A_61 : i32
      %run_scoped3A = arith.constant 0 : i32
      "tpu.region"() ({
        %run_scoped3A_64 = tpu.sem_alloc : memref<!tpu.dma_semaphore, #tpu.memory_space<semaphore_mem>>
        %dma_start3A_65 = arith.constant 0 : i32
        %dma_start3A_66 = arith.constant 0 : i32
        %dma_start3A_67 = tpu.memref_slice %arg8[%run_scoped3A, %dma_start3A_65, %dma_start3A_66] : memref<2x128x64xf32, #tpu.memory_space<vmem>> -> memref<1x128x64xf32, #tpu.memory_space<vmem>>
        %dma_start3A_68 = tpu.memref_squeeze %dma_start3A_67 : memref<1x128x64xf32, #tpu.memory_space<vmem>> -> memref<128x64xf32, #tpu.memory_space<vmem>>
        %dma_start3A_69 = arith.constant 0 : i32
        %dma_start3A_70 = tpu.memref_slice %arg10[%add3A_62, %dma_start3A_69] : memref<10240x64xf32, #tpu.memory_space<vmem_shared>> -> memref<128x64xf32, #tpu.memory_space<vmem_shared>>
        %dma_start3A_71 = arith.constant 0 : i32
        %dma_start3A_72 = tpu.memref_slice %arg10[%add3A_62, %dma_start3A_71] : memref<10240x64xf32, #tpu.memory_space<vmem_shared>> -> memref<128x64xf32, #tpu.memory_space<vmem_shared>>
        %dma_start3A_73 = arith.constant 0 : i32
        %dma_start3A_74 = arith.constant 0 : i32
        %dma_start3A_75 = tpu.memref_slice %arg8[%run_scoped3A, %dma_start3A_73, %dma_start3A_74] : memref<2x128x64xf32, #tpu.memory_space<vmem>> -> memref<1x128x64xf32, #tpu.memory_space<vmem>>
        %dma_start3A_76 = tpu.memref_squeeze %dma_start3A_75 : memref<1x128x64xf32, #tpu.memory_space<vmem>> -> memref<128x64xf32, #tpu.memory_space<vmem>>
        tpu.enqueue_dma source(%dma_start3A_76 : memref<128x64xf32, #tpu.memory_space<vmem>>) target(%dma_start3A_72 : memref<128x64xf32, #tpu.memory_space<vmem_shared>>) target_semaphore(%run_scoped3A_64 : memref<!tpu.dma_semaphore, #tpu.memory_space<semaphore_mem>>)
        %dma_wait3A_77 = arith.constant 0 : i32
        %dma_wait3A_78 = arith.constant 0 : i32
        %dma_wait3A_79 = tpu.memref_slice %arg8[%run_scoped3A, %dma_wait3A_77, %dma_wait3A_78] : memref<2x128x64xf32, #tpu.memory_space<vmem>> -> memref<1x128x64xf32, #tpu.memory_space<vmem>>
        %dma_wait3A_80 = tpu.memref_squeeze %dma_wait3A_79 : memref<1x128x64xf32, #tpu.memory_space<vmem>> -> memref<128x64xf32, #tpu.memory_space<vmem>>
        %dma_wait3A_81 = arith.constant 0 : i32
        %dma_wait3A_82 = tpu.memref_slice %arg10[%add3A_62, %dma_wait3A_81] : memref<10240x64xf32, #tpu.memory_space<vmem_shared>> -> memref<128x64xf32, #tpu.memory_space<vmem_shared>>
        %dma_wait3A_83 = arith.constant 0 : i32
        %dma_wait3A_84 = tpu.memref_slice %arg10[%add3A_62, %dma_wait3A_83] : memref<10240x64xf32, #tpu.memory_space<vmem_shared>> -> memref<128x64xf32, #tpu.memory_space<vmem_shared>>
        %dma_wait3A_85 = arith.constant 0 : i32
        %dma_wait3A_86 = arith.constant 0 : i32
        %dma_wait3A_87 = tpu.memref_slice %arg8[%run_scoped3A, %dma_wait3A_85, %dma_wait3A_86] : memref<2x128x64xf32, #tpu.memory_space<vmem>> -> memref<1x128x64xf32, #tpu.memory_space<vmem>>
        %dma_wait3A_88 = tpu.memref_squeeze %dma_wait3A_87 : memref<1x128x64xf32, #tpu.memory_space<vmem>> -> memref<128x64xf32, #tpu.memory_space<vmem>>
        tpu.wait_dma2 semaphore(%run_scoped3A_64 : memref<!tpu.dma_semaphore, #tpu.memory_space<semaphore_mem>>) src(%dma_wait3A_88 : memref<128x64xf32, #tpu.memory_space<vmem>>) dst(%dma_wait3A_84 : memref<128x64xf32, #tpu.memory_space<vmem_shared>>)
        tpu.yield
      }) : () -> ()
      %scan3A_63 = arith.constant 0 : i32
      scf.yield %scan3A_63 : i32
    }
    %scan3A_17 = arith.constant 5 : i32
    %mul3A_18 = arith.constant 80 : i32
    %mul3A_19 = arith.muli %add3A, %mul3A_18 : i32
    "tpu.region"() ({
      %run_scoped3A = tpu.sem_alloc : memref<!tpu.dma_semaphore, #tpu.memory_space<semaphore_mem>>
      %dma_start3A_56 = arith.constant 0 : i32
      %dma_start3A_57 = tpu.memref_slice %arg3[%mul3A_19, %dma_start3A_56] : memref<2560x128xi32, #tpu.memory_space<hbm>> -> memref<80x128xi32, #tpu.memory_space<hbm>>
      %dma_start3A_58 = arith.constant 0 : i32
      %dma_start3A_59 = tpu.memref_slice %arg3[%mul3A_19, %dma_start3A_58] : memref<2560x128xi32, #tpu.memory_space<hbm>> -> memref<80x128xi32, #tpu.memory_space<hbm>>
      tpu.enqueue_dma source(%dma_start3A_59 : memref<80x128xi32, #tpu.memory_space<hbm>>) target(%arg6 : memref<80x128xi32, #tpu.memory_space<vmem>>) target_semaphore(%run_scoped3A : memref<!tpu.dma_semaphore, #tpu.memory_space<semaphore_mem>>)
      %dma_wait3A_60 = arith.constant 0 : i32
      %dma_wait3A_61 = tpu.memref_slice %arg3[%mul3A_19, %dma_wait3A_60] : memref<2560x128xi32, #tpu.memory_space<hbm>> -> memref<80x128xi32, #tpu.memory_space<hbm>>
      %dma_wait3A_62 = arith.constant 0 : i32
      %dma_wait3A_63 = tpu.memref_slice %arg3[%mul3A_19, %dma_wait3A_62] : memref<2560x128xi32, #tpu.memory_space<hbm>> -> memref<80x128xi32, #tpu.memory_space<hbm>>
      tpu.wait_dma2 semaphore(%run_scoped3A : memref<!tpu.dma_semaphore, #tpu.memory_space<semaphore_mem>>) src(%dma_wait3A_63 : memref<80x128xi32, #tpu.memory_space<hbm>>) dst(%arg6 : memref<80x128xi32, #tpu.memory_space<vmem>>)
      tpu.yield
    }) : () -> ()
    %mul3A_20 = arith.constant 80 : i32
    %mul3A_21 = arith.muli %add3A, %mul3A_20 : i32
    "tpu.region"() ({
      %run_scoped3A = tpu.sem_alloc : memref<!tpu.dma_semaphore, #tpu.memory_space<semaphore_mem>>
      %dma_start3A_56 = arith.constant 0 : i32
      %dma_start3A_57 = tpu.memref_slice %arg4[%mul3A_21, %dma_start3A_56] : memref<2560x128xi32, #tpu.memory_space<hbm>> -> memref<80x128xi32, #tpu.memory_space<hbm>>
      %dma_start3A_58 = arith.constant 0 : i32
      %dma_start3A_59 = tpu.memref_slice %arg4[%mul3A_21, %dma_start3A_58] : memref<2560x128xi32, #tpu.memory_space<hbm>> -> memref<80x128xi32, #tpu.memory_space<hbm>>
      tpu.enqueue_dma source(%dma_start3A_59 : memref<80x128xi32, #tpu.memory_space<hbm>>) target(%arg7 : memref<80x128xi32, #tpu.memory_space<vmem>>) target_semaphore(%run_scoped3A : memref<!tpu.dma_semaphore, #tpu.memory_space<semaphore_mem>>)
      %dma_wait3A_60 = arith.constant 0 : i32
      %dma_wait3A_61 = tpu.memref_slice %arg4[%mul3A_21, %dma_wait3A_60] : memref<2560x128xi32, #tpu.memory_space<hbm>> -> memref<80x128xi32, #tpu.memory_space<hbm>>
      %dma_wait3A_62 = arith.constant 0 : i32
      %dma_wait3A_63 = tpu.memref_slice %arg4[%mul3A_21, %dma_wait3A_62] : memref<2560x128xi32, #tpu.memory_space<hbm>> -> memref<80x128xi32, #tpu.memory_space<hbm>>
      tpu.wait_dma2 semaphore(%run_scoped3A : memref<!tpu.dma_semaphore, #tpu.memory_space<semaphore_mem>>) src(%dma_wait3A_63 : memref<80x128xi32, #tpu.memory_space<hbm>>) dst(%arg7 : memref<80x128xi32, #tpu.memory_space<vmem>>)
      tpu.yield
    }) : () -> ()
    %barrier3A = arith.constant 0 : index
    tpu.barrier barrier_id(%barrier3A)
    %dma_start3A = arith.constant 0 : i32
    %dma_start3A_22 = arith.constant 0 : i32
    %dma_start3A_23 = arith.constant 0 : i32
    %dma_start3A_24 = arith.constant 0 : i32
    %dma_start3A_25 = tpu.memref_slice %arg8[%dma_start3A_22, %dma_start3A_23, %dma_start3A_24] : memref<2x128x64xf32, #tpu.memory_space<vmem>> -> memref<1x128x64xf32, #tpu.memory_space<vmem>>
    %dma_start3A_26 = tpu.memref_squeeze %dma_start3A_25 : memref<1x128x64xf32, #tpu.memory_space<vmem>> -> memref<128x64xf32, #tpu.memory_space<vmem>>
    %dma_start3A_27 = arith.constant 0 : i32
    %dma_start3A_28 = tpu.memref_slice %arg6[%dma_start3A, %dma_start3A_27] : memref<80x128xi32, #tpu.memory_space<vmem>> -> memref<1x128xi32, #tpu.memory_space<vmem>>
    %dma_start3A_29 = tpu.memref_squeeze %dma_start3A_28 : memref<1x128xi32, #tpu.memory_space<vmem>> -> memref<128xi32, #tpu.memory_space<vmem>>
    %dma_start3A_30 = arith.constant 0 : i32
    %dma_start3A_31 = arith.constant 0 : i32
    %dma_start3A_32 = tpu.memref_slice %arg9[%dma_start3A_30, %dma_start3A_31] : memref<10240x64xf32, #tpu.memory_space<vmem_shared>> -> memref<10240x64xf32, #tpu.memory_space<vmem_shared>>
    tpu.enqueue_indirect_dma source(%dma_start3A_32 : memref<10240x64xf32, #tpu.memory_space<vmem_shared>>) target(%dma_start3A_26 : memref<128x64xf32, #tpu.memory_space<vmem>>) offsets(%dma_start3A_29 : memref<128xi32, #tpu.memory_space<vmem>>) semaphore(%arg11 : memref<!tpu.dma_semaphore, #tpu.memory_space<semaphore_mem>>)
    %scan3A_33 = arith.constant 0 : i32
    %scan3A_34 = arith.constant 0 : i32
    %scan3A_35 = arith.constant 40 : i32
    %scan3A_36 = arith.addi %scan3A_34, %scan3A_35 : i32
    %scan3A_37 = arith.constant 1 : i32
    %scan3A_38 = scf.for %scan3A_56 = %scan3A_34 to %scan3A_36 step %scan3A_37 iter_args(%scan3A_57 = %scan3A_33) -> (i32)  : i32 {
      %mul3A_58 = arith.constant 2 : i32
      %mul3A_59 = arith.muli %scan3A_56, %mul3A_58 : i32
      %add3A_60 = arith.constant 0 : i32
      %add3A_61 = arith.addi %mul3A_59, %add3A_60 : i32
      %dma_wait3A_62 = arith.constant 0 : i32
      %dma_wait3A_63 = arith.constant 0 : i32
      %dma_wait3A_64 = arith.constant 0 : i32
      %dma_wait3A_65 = arith.constant 0 : i32
      %dma_wait3A_66 = tpu.memref_slice %arg8[%dma_wait3A_63, %dma_wait3A_64, %dma_wait3A_65] : memref<2x128x64xf32, #tpu.memory_space<vmem>> -> memref<1x128x64xf32, #tpu.memory_space<vmem>>
      %dma_wait3A_67 = tpu.memref_squeeze %dma_wait3A_66 : memref<1x128x64xf32, #tpu.memory_space<vmem>> -> memref<128x64xf32, #tpu.memory_space<vmem>>
      %dma_wait3A_68 = arith.constant 0 : i32
      %dma_wait3A_69 = tpu.memref_slice %arg6[%dma_wait3A_62, %dma_wait3A_68] : memref<80x128xi32, #tpu.memory_space<vmem>> -> memref<1x128xi32, #tpu.memory_space<vmem>>
      %dma_wait3A_70 = tpu.memref_squeeze %dma_wait3A_69 : memref<1x128xi32, #tpu.memory_space<vmem>> -> memref<128xi32, #tpu.memory_space<vmem>>
      %dma_wait3A_71 = arith.constant 0 : i32
      %dma_wait3A_72 = arith.constant 0 : i32
      %dma_wait3A_73 = tpu.memref_slice %arg9[%dma_wait3A_71, %dma_wait3A_72] : memref<10240x64xf32, #tpu.memory_space<vmem_shared>> -> memref<10240x64xf32, #tpu.memory_space<vmem_shared>>
      tpu.wait_indirect_dma semaphore(%arg11 : memref<!tpu.dma_semaphore, #tpu.memory_space<semaphore_mem>>) src(%dma_wait3A_73 : memref<10240x64xf32, #tpu.memory_space<vmem_shared>>) dst(%dma_wait3A_67 : memref<128x64xf32, #tpu.memory_space<vmem>>)
      %dma_start3A_74 = arith.constant 0 : i32
      %dma_start3A_75 = arith.constant 0 : i32
      %dma_start3A_76 = arith.constant 0 : i32
      %dma_start3A_77 = tpu.memref_slice %arg8[%dma_start3A_74, %dma_start3A_75, %dma_start3A_76] : memref<2x128x64xf32, #tpu.memory_space<vmem>> -> memref<1x128x64xf32, #tpu.memory_space<vmem>>
      %dma_start3A_78 = tpu.memref_squeeze %dma_start3A_77 : memref<1x128x64xf32, #tpu.memory_space<vmem>> -> memref<128x64xf32, #tpu.memory_space<vmem>>
      %dma_start3A_79 = arith.constant 0 : i32
      %dma_start3A_80 = tpu.memref_slice %arg7[%add3A_61, %dma_start3A_79] : memref<80x128xi32, #tpu.memory_space<vmem>> -> memref<1x128xi32, #tpu.memory_space<vmem>>
      %dma_start3A_81 = tpu.memref_squeeze %dma_start3A_80 : memref<1x128xi32, #tpu.memory_space<vmem>> -> memref<128xi32, #tpu.memory_space<vmem>>
      %dma_start3A_82 = arith.constant 0 : i32
      %dma_start3A_83 = arith.constant 0 : i32
      %dma_start3A_84 = tpu.memref_slice %arg10[%dma_start3A_82, %dma_start3A_83] : memref<10240x64xf32, #tpu.memory_space<vmem_shared>> -> memref<10240x64xf32, #tpu.memory_space<vmem_shared>>
      tpu.enqueue_indirect_dma source(%dma_start3A_78 : memref<128x64xf32, #tpu.memory_space<vmem>>) target(%dma_start3A_84 : memref<10240x64xf32, #tpu.memory_space<vmem_shared>>) offsets(%dma_start3A_81 : memref<128xi32, #tpu.memory_space<vmem>>) semaphore(%arg12 : memref<!tpu.dma_semaphore, #tpu.memory_space<semaphore_mem>>) {add = true}
      %ge3A = arith.constant 1 : i32
      %ge3A_85 = arith.cmpi sge, %scan3A_56, %ge3A : i32
      %convert_element_type3A = arith.extui %ge3A_85 : i1 to i32
      %cond3A = arith.constant 0 : i32
      %cond3A_86 = arith.cmpi ne, %convert_element_type3A, %cond3A : i32
      scf.if %cond3A_86 {
        %dma_wait3A_140 = arith.constant 0 : i32
        %dma_wait3A_141 = arith.constant 0 : i32
        %dma_wait3A_142 = arith.constant 0 : i32
        %dma_wait3A_143 = arith.constant 0 : i32
        %dma_wait3A_144 = tpu.memref_slice %arg8[%dma_wait3A_140, %dma_wait3A_142, %dma_wait3A_143] : memref<2x128x64xf32, #tpu.memory_space<vmem>> -> memref<1x128x64xf32, #tpu.memory_space<vmem>>
        %dma_wait3A_145 = tpu.memref_squeeze %dma_wait3A_144 : memref<1x128x64xf32, #tpu.memory_space<vmem>> -> memref<128x64xf32, #tpu.memory_space<vmem>>
        %dma_wait3A_146 = arith.constant 0 : i32
        %dma_wait3A_147 = tpu.memref_slice %arg7[%dma_wait3A_141, %dma_wait3A_146] : memref<80x128xi32, #tpu.memory_space<vmem>> -> memref<1x128xi32, #tpu.memory_space<vmem>>
        %dma_wait3A_148 = tpu.memref_squeeze %dma_wait3A_147 : memref<1x128xi32, #tpu.memory_space<vmem>> -> memref<128xi32, #tpu.memory_space<vmem>>
        %dma_wait3A_149 = arith.constant 0 : i32
        %dma_wait3A_150 = arith.constant 0 : i32
        %dma_wait3A_151 = tpu.memref_slice %arg10[%dma_wait3A_149, %dma_wait3A_150] : memref<10240x64xf32, #tpu.memory_space<vmem_shared>> -> memref<10240x64xf32, #tpu.memory_space<vmem_shared>>
        tpu.wait_indirect_dma semaphore(%arg12 : memref<!tpu.dma_semaphore, #tpu.memory_space<semaphore_mem>>) src(%dma_wait3A_145 : memref<128x64xf32, #tpu.memory_space<vmem>>) dst(%dma_wait3A_151 : memref<10240x64xf32, #tpu.memory_space<vmem_shared>>)
      } else {
      }
      %add3A_87 = arith.constant 1 : i32
      %add3A_88 = arith.addi %add3A_61, %add3A_87 : i32
      %lt3A = arith.constant 80 : i32
      %lt3A_89 = arith.cmpi slt, %add3A_88, %lt3A : i32
      %convert_element_type3A_90 = arith.extui %lt3A_89 : i1 to i32
      %cond3A_91 = arith.constant 0 : i32
      %cond3A_92 = arith.cmpi ne, %convert_element_type3A_90, %cond3A_91 : i32
      scf.if %cond3A_92 {
        %add3A_140 = arith.constant 1 : i32
        %add3A_141 = arith.addi %add3A_61, %add3A_140 : i32
        %dma_start3A_142 = arith.constant 1 : i32
        %dma_start3A_143 = arith.constant 0 : i32
        %dma_start3A_144 = arith.constant 0 : i32
        %dma_start3A_145 = tpu.memref_slice %arg8[%dma_start3A_142, %dma_start3A_143, %dma_start3A_144] : memref<2x128x64xf32, #tpu.memory_space<vmem>> -> memref<1x128x64xf32, #tpu.memory_space<vmem>>
        %dma_start3A_146 = tpu.memref_squeeze %dma_start3A_145 : memref<1x128x64xf32, #tpu.memory_space<vmem>> -> memref<128x64xf32, #tpu.memory_space<vmem>>
        %dma_start3A_147 = arith.constant 0 : i32
        %dma_start3A_148 = tpu.memref_slice %arg6[%add3A_141, %dma_start3A_147] : memref<80x128xi32, #tpu.memory_space<vmem>> -> memref<1x128xi32, #tpu.memory_space<vmem>>
        %dma_start3A_149 = tpu.memref_squeeze %dma_start3A_148 : memref<1x128xi32, #tpu.memory_space<vmem>> -> memref<128xi32, #tpu.memory_space<vmem>>
        %dma_start3A_150 = arith.constant 0 : i32
        %dma_start3A_151 = arith.constant 0 : i32
        %dma_start3A_152 = tpu.memref_slice %arg9[%dma_start3A_150, %dma_start3A_151] : memref<10240x64xf32, #tpu.memory_space<vmem_shared>> -> memref<10240x64xf32, #tpu.memory_space<vmem_shared>>
        tpu.enqueue_indirect_dma source(%dma_start3A_152 : memref<10240x64xf32, #tpu.memory_space<vmem_shared>>) target(%dma_start3A_146 : memref<128x64xf32, #tpu.memory_space<vmem>>) offsets(%dma_start3A_149 : memref<128xi32, #tpu.memory_space<vmem>>) semaphore(%arg11 : memref<!tpu.dma_semaphore, #tpu.memory_space<semaphore_mem>>)
      } else {
      }
      %mul3A_93 = arith.constant 2 : i32
      %mul3A_94 = arith.muli %scan3A_56, %mul3A_93 : i32
      %add3A_95 = arith.constant 1 : i32
      %add3A_96 = arith.addi %mul3A_94, %add3A_95 : i32
      %dma_wait3A_97 = arith.constant 0 : i32
      %dma_wait3A_98 = arith.constant 1 : i32
      %dma_wait3A_99 = arith.constant 0 : i32
      %dma_wait3A_100 = arith.constant 0 : i32
      %dma_wait3A_101 = tpu.memref_slice %arg8[%dma_wait3A_98, %dma_wait3A_99, %dma_wait3A_100] : memref<2x128x64xf32, #tpu.memory_space<vmem>> -> memref<1x128x64xf32, #tpu.memory_space<vmem>>
      %dma_wait3A_102 = tpu.memref_squeeze %dma_wait3A_101 : memref<1x128x64xf32, #tpu.memory_space<vmem>> -> memref<128x64xf32, #tpu.memory_space<vmem>>
      %dma_wait3A_103 = arith.constant 0 : i32
      %dma_wait3A_104 = tpu.memref_slice %arg6[%dma_wait3A_97, %dma_wait3A_103] : memref<80x128xi32, #tpu.memory_space<vmem>> -> memref<1x128xi32, #tpu.memory_space<vmem>>
      %dma_wait3A_105 = tpu.memref_squeeze %dma_wait3A_104 : memref<1x128xi32, #tpu.memory_space<vmem>> -> memref<128xi32, #tpu.memory_space<vmem>>
      %dma_wait3A_106 = arith.constant 0 : i32
      %dma_wait3A_107 = arith.constant 0 : i32
      %dma_wait3A_108 = tpu.memref_slice %arg9[%dma_wait3A_106, %dma_wait3A_107] : memref<10240x64xf32, #tpu.memory_space<vmem_shared>> -> memref<10240x64xf32, #tpu.memory_space<vmem_shared>>
      tpu.wait_indirect_dma semaphore(%arg11 : memref<!tpu.dma_semaphore, #tpu.memory_space<semaphore_mem>>) src(%dma_wait3A_108 : memref<10240x64xf32, #tpu.memory_space<vmem_shared>>) dst(%dma_wait3A_102 : memref<128x64xf32, #tpu.memory_space<vmem>>)
      %dma_start3A_109 = arith.constant 1 : i32
      %dma_start3A_110 = arith.constant 0 : i32
      %dma_start3A_111 = arith.constant 0 : i32
      %dma_start3A_112 = tpu.memref_slice %arg8[%dma_start3A_109, %dma_start3A_110, %dma_start3A_111] : memref<2x128x64xf32, #tpu.memory_space<vmem>> -> memref<1x128x64xf32, #tpu.memory_space<vmem>>
      %dma_start3A_113 = tpu.memref_squeeze %dma_start3A_112 : memref<1x128x64xf32, #tpu.memory_space<vmem>> -> memref<128x64xf32, #tpu.memory_space<vmem>>
      %dma_start3A_114 = arith.constant 0 : i32
      %dma_start3A_115 = tpu.memref_slice %arg7[%add3A_96, %dma_start3A_114] : memref<80x128xi32, #tpu.memory_space<vmem>> -> memref<1x128xi32, #tpu.memory_space<vmem>>
      %dma_start3A_116 = tpu.memref_squeeze %dma_start3A_115 : memref<1x128xi32, #tpu.memory_space<vmem>> -> memref<128xi32, #tpu.memory_space<vmem>>
      %dma_start3A_117 = arith.constant 0 : i32
      %dma_start3A_118 = arith.constant 0 : i32
      %dma_start3A_119 = tpu.memref_slice %arg10[%dma_start3A_117, %dma_start3A_118] : memref<10240x64xf32, #tpu.memory_space<vmem_shared>> -> memref<10240x64xf32, #tpu.memory_space<vmem_shared>>
      tpu.enqueue_indirect_dma source(%dma_start3A_113 : memref<128x64xf32, #tpu.memory_space<vmem>>) target(%dma_start3A_119 : memref<10240x64xf32, #tpu.memory_space<vmem_shared>>) offsets(%dma_start3A_116 : memref<128xi32, #tpu.memory_space<vmem>>) semaphore(%arg12 : memref<!tpu.dma_semaphore, #tpu.memory_space<semaphore_mem>>) {add = true}
      %dma_wait3A_120 = arith.constant 0 : i32
      %dma_wait3A_121 = arith.constant 0 : i32
      %dma_wait3A_122 = arith.constant 0 : i32
      %dma_wait3A_123 = arith.constant 0 : i32
      %dma_wait3A_124 = tpu.memref_slice %arg8[%dma_wait3A_120, %dma_wait3A_122, %dma_wait3A_123] : memref<2x128x64xf32, #tpu.memory_space<vmem>> -> memref<1x128x64xf32, #tpu.memory_space<vmem>>
      %dma_wait3A_125 = tpu.memref_squeeze %dma_wait3A_124 : memref<1x128x64xf32, #tpu.memory_space<vmem>> -> memref<128x64xf32, #tpu.memory_space<vmem>>
      %dma_wait3A_126 = arith.constant 0 : i32
      %dma_wait3A_127 = tpu.memref_slice %arg7[%dma_wait3A_121, %dma_wait3A_126] : memref<80x128xi32, #tpu.memory_space<vmem>> -> memref<1x128xi32, #tpu.memory_space<vmem>>
      %dma_wait3A_128 = tpu.memref_squeeze %dma_wait3A_127 : memref<1x128xi32, #tpu.memory_space<vmem>> -> memref<128xi32, #tpu.memory_space<vmem>>
      %dma_wait3A_129 = arith.constant 0 : i32
      %dma_wait3A_130 = arith.constant 0 : i32
      %dma_wait3A_131 = tpu.memref_slice %arg10[%dma_wait3A_129, %dma_wait3A_130] : memref<10240x64xf32, #tpu.memory_space<vmem_shared>> -> memref<10240x64xf32, #tpu.memory_space<vmem_shared>>
      tpu.wait_indirect_dma semaphore(%arg12 : memref<!tpu.dma_semaphore, #tpu.memory_space<semaphore_mem>>) src(%dma_wait3A_125 : memref<128x64xf32, #tpu.memory_space<vmem>>) dst(%dma_wait3A_131 : memref<10240x64xf32, #tpu.memory_space<vmem_shared>>)
      %add3A_132 = arith.constant 1 : i32
      %add3A_133 = arith.addi %add3A_96, %add3A_132 : i32
      %lt3A_134 = arith.constant 80 : i32
      %lt3A_135 = arith.cmpi slt, %add3A_133, %lt3A_134 : i32
      %convert_element_type3A_136 = arith.extui %lt3A_135 : i1 to i32
      %cond3A_137 = arith.constant 0 : i32
      %cond3A_138 = arith.cmpi ne, %convert_element_type3A_136, %cond3A_137 : i32
      scf.if %cond3A_138 {
        %add3A_140 = arith.constant 1 : i32
        %add3A_141 = arith.addi %add3A_96, %add3A_140 : i32
        %dma_start3A_142 = arith.constant 0 : i32
        %dma_start3A_143 = arith.constant 0 : i32
        %dma_start3A_144 = arith.constant 0 : i32
        %dma_start3A_145 = tpu.memref_slice %arg8[%dma_start3A_142, %dma_start3A_143, %dma_start3A_144] : memref<2x128x64xf32, #tpu.memory_space<vmem>> -> memref<1x128x64xf32, #tpu.memory_space<vmem>>
        %dma_start3A_146 = tpu.memref_squeeze %dma_start3A_145 : memref<1x128x64xf32, #tpu.memory_space<vmem>> -> memref<128x64xf32, #tpu.memory_space<vmem>>
        %dma_start3A_147 = arith.constant 0 : i32
        %dma_start3A_148 = tpu.memref_slice %arg6[%add3A_141, %dma_start3A_147] : memref<80x128xi32, #tpu.memory_space<vmem>> -> memref<1x128xi32, #tpu.memory_space<vmem>>
        %dma_start3A_149 = tpu.memref_squeeze %dma_start3A_148 : memref<1x128xi32, #tpu.memory_space<vmem>> -> memref<128xi32, #tpu.memory_space<vmem>>
        %dma_start3A_150 = arith.constant 0 : i32
        %dma_start3A_151 = arith.constant 0 : i32
        %dma_start3A_152 = tpu.memref_slice %arg9[%dma_start3A_150, %dma_start3A_151] : memref<10240x64xf32, #tpu.memory_space<vmem_shared>> -> memref<10240x64xf32, #tpu.memory_space<vmem_shared>>
        tpu.enqueue_indirect_dma source(%dma_start3A_152 : memref<10240x64xf32, #tpu.memory_space<vmem_shared>>) target(%dma_start3A_146 : memref<128x64xf32, #tpu.memory_space<vmem>>) offsets(%dma_start3A_149 : memref<128xi32, #tpu.memory_space<vmem>>) semaphore(%arg11 : memref<!tpu.dma_semaphore, #tpu.memory_space<semaphore_mem>>)
      } else {
      }
      %scan3A_139 = arith.constant 0 : i32
      scf.yield %scan3A_139 : i32
    }
    %scan3A_39 = arith.constant 40 : i32
    %dma_wait3A = arith.constant 0 : i32
    %dma_wait3A_40 = arith.constant 0 : i32
    %dma_wait3A_41 = arith.constant 0 : i32
    %dma_wait3A_42 = arith.constant 0 : i32
    %dma_wait3A_43 = tpu.memref_slice %arg8[%dma_wait3A, %dma_wait3A_41, %dma_wait3A_42] : memref<2x128x64xf32, #tpu.memory_space<vmem>> -> memref<1x128x64xf32, #tpu.memory_space<vmem>>
    %dma_wait3A_44 = tpu.memref_squeeze %dma_wait3A_43 : memref<1x128x64xf32, #tpu.memory_space<vmem>> -> memref<128x64xf32, #tpu.memory_space<vmem>>
    %dma_wait3A_45 = arith.constant 0 : i32
    %dma_wait3A_46 = tpu.memref_slice %arg7[%dma_wait3A_40, %dma_wait3A_45] : memref<80x128xi32, #tpu.memory_space<vmem>> -> memref<1x128xi32, #tpu.memory_space<vmem>>
    %dma_wait3A_47 = tpu.memref_squeeze %dma_wait3A_46 : memref<1x128xi32, #tpu.memory_space<vmem>> -> memref<128xi32, #tpu.memory_space<vmem>>
    %dma_wait3A_48 = arith.constant 0 : i32
    %dma_wait3A_49 = arith.constant 0 : i32
    %dma_wait3A_50 = tpu.memref_slice %arg10[%dma_wait3A_48, %dma_wait3A_49] : memref<10240x64xf32, #tpu.memory_space<vmem_shared>> -> memref<10240x64xf32, #tpu.memory_space<vmem_shared>>
    tpu.wait_indirect_dma semaphore(%arg12 : memref<!tpu.dma_semaphore, #tpu.memory_space<semaphore_mem>>) src(%dma_wait3A_44 : memref<128x64xf32, #tpu.memory_space<vmem>>) dst(%dma_wait3A_50 : memref<10240x64xf32, #tpu.memory_space<vmem_shared>>)
    %barrier3A_51 = arith.constant 0 : index
    tpu.barrier barrier_id(%barrier3A_51)
    %mul3A_52 = arith.constant 640 : i32
    %mul3A_53 = arith.muli %arg1, %mul3A_52 : i32
    %mul3A_54 = arith.constant 640 : i32
    %mul3A_55 = arith.muli %arg1, %mul3A_54 : i32
    "tpu.region"() ({
      %run_scoped3A = tpu.sem_alloc : memref<!tpu.dma_semaphore, #tpu.memory_space<semaphore_mem>>
      %dma_start3A_56 = arith.constant 0 : i32
      %dma_start3A_57 = tpu.memref_slice %arg5[%arg0, %mul3A_55, %dma_start3A_56] : memref<2x10240x64xf32, #tpu.memory_space<hbm>> -> memref<1x640x64xf32, #tpu.memory_space<hbm>>
      %dma_start3A_58 = tpu.memref_squeeze %dma_start3A_57 : memref<1x640x64xf32, #tpu.memory_space<hbm>> -> memref<640x64xf32, #tpu.memory_space<hbm>>
      %dma_start3A_59 = arith.constant 0 : i32
      %dma_start3A_60 = tpu.memref_slice %arg10[%mul3A_53, %dma_start3A_59] : memref<10240x64xf32, #tpu.memory_space<vmem_shared>> -> memref<640x64xf32, #tpu.memory_space<vmem_shared>>
      tpu.enqueue_dma source(%dma_start3A_60 : memref<640x64xf32, #tpu.memory_space<vmem_shared>>) target(%dma_start3A_58 : memref<640x64xf32, #tpu.memory_space<hbm>>) target_semaphore(%run_scoped3A : memref<!tpu.dma_semaphore, #tpu.memory_space<semaphore_mem>>)
      %dma_wait3A_61 = arith.constant 0 : i32
      %dma_wait3A_62 = tpu.memref_slice %arg5[%arg0, %mul3A_55, %dma_wait3A_61] : memref<2x10240x64xf32, #tpu.memory_space<hbm>> -> memref<1x640x64xf32, #tpu.memory_space<hbm>>
      %dma_wait3A_63 = tpu.memref_squeeze %dma_wait3A_62 : memref<1x640x64xf32, #tpu.memory_space<hbm>> -> memref<640x64xf32, #tpu.memory_space<hbm>>
      %dma_wait3A_64 = arith.constant 0 : i32
      %dma_wait3A_65 = tpu.memref_slice %arg10[%mul3A_53, %dma_wait3A_64] : memref<10240x64xf32, #tpu.memory_space<vmem_shared>> -> memref<640x64xf32, #tpu.memory_space<vmem_shared>>
      tpu.wait_dma2 semaphore(%run_scoped3A : memref<!tpu.dma_semaphore, #tpu.memory_space<semaphore_mem>>) src(%dma_wait3A_65 : memref<640x64xf32, #tpu.memory_space<vmem_shared>>) dst(%dma_wait3A_63 : memref<640x64xf32, #tpu.memory_space<hbm>>)
      tpu.yield
    }) : () -> ()
    return
  }
}

module attributes {stable_mosaic.version = 14 : i64} {
  func.func @_tc1_body(%arg0: i32, %arg1: memref<512x128xf32, #tpu.memory_space<vmem>>, %arg2: memref<128x128xf32, #tpu.memory_space<vmem>>, %arg3: memref<1x128xf32, #tpu.memory_space<vmem>>, %arg4: memref<128x64xf32, #tpu.memory_space<vmem>>, %arg5: memref<1x64xf32, #tpu.memory_space<vmem>>, %arg6: memref<64x64xf32, #tpu.memory_space<vmem>>, %arg7: memref<2x512x1xf32, #tpu.memory_space<vmem>>, %arg8: memref<512x64xf32, #tpu.memory_space<vmem>>) attributes {dimension_semantics = [#tpu.dimension_semantics<arbitrary>], iteration_bounds = array<i64: 20>, scalar_prefetch = 0 : i64, scratch_operands = 0 : i64, tpu.core_type = #tpu.core_type<tc>, window_params = [{transform_indices = @transform_0, window_bounds = array<i64: 512, 128>}, {pipeline_mode = #tpu.pipeline_mode<synchronous>, transform_indices = @transform_1, window_bounds = array<i64: 128, 128>}, {pipeline_mode = #tpu.pipeline_mode<synchronous>, transform_indices = @transform_2, window_bounds = array<i64: 1, 128>}, {pipeline_mode = #tpu.pipeline_mode<synchronous>, transform_indices = @transform_3, window_bounds = array<i64: 128, 64>}, {pipeline_mode = #tpu.pipeline_mode<synchronous>, transform_indices = @transform_4, window_bounds = array<i64: 1, 64>}, {pipeline_mode = #tpu.pipeline_mode<synchronous>, transform_indices = @transform_5, window_bounds = array<i64: 64, 64>}, {transform_indices = @transform_6, window_bounds = array<i64: 2, 512, 1>}, {transform_indices = @transform_7, window_bounds = array<i64: 512, 64>}]} {
    %get3A = arith.constant 0 : index
    %get3A_0 = arith.constant 0 : index
    %get3A_1 = vector.load %arg1[%get3A, %get3A_0] : memref<512x128xf32, #tpu.memory_space<vmem>>, vector<512x128xf32>
    %get3A_2 = arith.constant 0 : index
    %get3A_3 = arith.constant 0 : index
    %get3A_4 = vector.load %arg2[%get3A_2, %get3A_3] : memref<128x128xf32, #tpu.memory_space<vmem>>, vector<128x128xf32>
    %dot_general3A = arith.constant dense<0.000000e+00> : vector<512x128xf32>
    %dot_general3A_5 = tpu.matmul %get3A_1, %get3A_4, %dot_general3A {dimension_numbers = #tpu.dot_dimension_numbers<[1], [0], [0], [1], [0, 0, 1, 1], [], []>, transpose_lhs_hint = false} : vector<512x128xf32>, vector<128x128xf32>, vector<512x128xf32> -> vector<512x128xf32>
    %get3A_6 = arith.constant 0 : index
    %get3A_7 = arith.constant 0 : index
    %get3A_8 = vector.load %arg3[%get3A_6, %get3A_7] : memref<1x128xf32, #tpu.memory_space<vmem>>, vector<1x128xf32>
    %add3A = vector.broadcast %get3A_8 : vector<1x128xf32> to vector<512x128xf32>
    %add3A_9 = arith.addf %dot_general3A_5, %add3A : vector<512x128xf32>
    %gt3A = arith.constant 0.000000e+00 : f32
    %gt3A_10 = vector.broadcast %gt3A : f32 to vector<512x128xf32>
    %gt3A_11 = arith.cmpf ogt, %add3A_9, %gt3A_10 : vector<512x128xf32>
    %mul3A = arith.constant 0.00999999977 : f32
    %mul3A_12 = vector.broadcast %mul3A : f32 to vector<512x128xf32>
    %mul3A_13 = arith.mulf %mul3A_12, %add3A_9 : vector<512x128xf32>
    %select_n3A = arith.select %gt3A_11, %add3A_9, %mul3A_13 : vector<512x128xi1>, vector<512x128xf32>
    %get3A_14 = arith.constant 0 : index
    %get3A_15 = arith.constant 0 : index
    %get3A_16 = vector.load %arg4[%get3A_14, %get3A_15] : memref<128x64xf32, #tpu.memory_space<vmem>>, vector<128x64xf32>
    %dot_general3A_17 = arith.constant dense<0.000000e+00> : vector<512x64xf32>
    %dot_general3A_18 = tpu.matmul %select_n3A, %get3A_16, %dot_general3A_17 {dimension_numbers = #tpu.dot_dimension_numbers<[1], [0], [0], [1], [0, 0, 1, 1], [], []>, transpose_lhs_hint = false} : vector<512x128xf32>, vector<128x64xf32>, vector<512x64xf32> -> vector<512x64xf32>
    %get3A_19 = arith.constant 0 : index
    %get3A_20 = arith.constant 0 : index
    %get3A_21 = vector.load %arg5[%get3A_19, %get3A_20] : memref<1x64xf32, #tpu.memory_space<vmem>>, vector<1x64xf32>
    %add3A_22 = vector.broadcast %get3A_21 : vector<1x64xf32> to vector<512x64xf32>
    %add3A_23 = arith.addf %dot_general3A_18, %add3A_22 : vector<512x64xf32>
    %gt3A_24 = arith.constant 0.000000e+00 : f32
    %gt3A_25 = vector.broadcast %gt3A_24 : f32 to vector<512x64xf32>
    %gt3A_26 = arith.cmpf ogt, %add3A_23, %gt3A_25 : vector<512x64xf32>
    %mul3A_27 = arith.constant 0.00999999977 : f32
    %mul3A_28 = vector.broadcast %mul3A_27 : f32 to vector<512x64xf32>
    %mul3A_29 = arith.mulf %mul3A_28, %add3A_23 : vector<512x64xf32>
    %select_n3A_30 = arith.select %gt3A_26, %add3A_23, %mul3A_29 : vector<512x64xi1>, vector<512x64xf32>
    %get3A_31 = arith.constant 0 : index
    %get3A_32 = arith.constant 0 : index
    %get3A_33 = arith.constant 0 : index
    %get3A_34 = vector.load %arg7[%get3A_31, %get3A_32, %get3A_33] : memref<2x512x1xf32, #tpu.memory_space<vmem>>, vector<2x512x1xf32>
    %slice3A = vector.extract_strided_slice %get3A_34 {offsets = [0, 0, 0], sizes = [1, 512, 1], strides = [1, 1, 1]} : vector<2x512x1xf32> to vector<1x512x1xf32>
    %squeeze3A = vector.shape_cast %slice3A : vector<1x512x1xf32> to vector<512x1xf32>
    %slice3A_35 = vector.extract_strided_slice %get3A_34 {offsets = [1, 0, 0], sizes = [1, 512, 1], strides = [1, 1, 1]} : vector<2x512x1xf32> to vector<1x512x1xf32>
    %squeeze3A_36 = vector.shape_cast %slice3A_35 : vector<1x512x1xf32> to vector<512x1xf32>
    %add3A_37 = arith.addf %squeeze3A, %squeeze3A_36 : vector<512x1xf32>
    %add3A_38 = arith.constant 1.000000e+00 : f32
    %add3A_39 = vector.broadcast %add3A_38 : f32 to vector<512x1xf32>
    %add3A_40 = arith.addf %add3A_37, %add3A_39 : vector<512x1xf32>
    %rsqrt3A = math.rsqrt %add3A_40 : vector<512x1xf32>
    %get3A_41 = arith.constant 0 : index
    %get3A_42 = arith.constant 0 : index
    %get3A_43 = vector.load %arg6[%get3A_41, %get3A_42] : memref<64x64xf32, #tpu.memory_space<vmem>>, vector<64x64xf32>
    %dot_general3A_44 = arith.constant dense<0.000000e+00> : vector<512x64xf32>
    %dot_general3A_45 = tpu.matmul %select_n3A_30, %get3A_43, %dot_general3A_44 {dimension_numbers = #tpu.dot_dimension_numbers<[1], [0], [0], [1], [0, 0, 1, 1], [], []>, transpose_lhs_hint = false} : vector<512x64xf32>, vector<64x64xf32>, vector<512x64xf32> -> vector<512x64xf32>
    %mul3A_46 = vector.broadcast %rsqrt3A : vector<512x1xf32> to vector<512x64xf32>
    %mul3A_47 = arith.mulf %dot_general3A_45, %mul3A_46 : vector<512x64xf32>
    %swap3A = arith.constant 0 : index
    %swap3A_48 = arith.constant 0 : index
    %swap3A_49 = vector.load %arg8[%swap3A, %swap3A_48] : memref<512x64xf32, #tpu.memory_space<vmem>>, vector<512x64xf32>
    tpu.vector_store %arg8[%swap3A, %swap3A_48], %mul3A_47 {strides = array<i32>} : memref<512x64xf32, #tpu.memory_space<vmem>>, vector<512x64xf32>,
    return
  }
  func.func @transform_0(%arg0: i32) -> (i32, i32) {
    %c0_i32 = arith.constant 0 : i32
    %c0_i32_0 = arith.constant 0 : i32
    return %arg0, %c0_i32 : i32, i32
  }
  func.func @transform_1(%arg0: i32) -> (i32, i32) {
    %c0_i32 = arith.constant 0 : i32
    %c0_i32_0 = arith.constant 0 : i32
    %c0_i32_1 = arith.constant 0 : i32
    return %c0_i32, %c0_i32_0 : i32, i32
  }
  func.func @transform_2(%arg0: i32) -> (i32, i32) {
    %c0_i32 = arith.constant 0 : i32
    %c0_i32_0 = arith.constant 0 : i32
    %c0_i32_1 = arith.constant 0 : i32
    return %c0_i32, %c0_i32_0 : i32, i32
  }
  func.func @transform_3(%arg0: i32) -> (i32, i32) {
    %c0_i32 = arith.constant 0 : i32
    %c0_i32_0 = arith.constant 0 : i32
    %c0_i32_1 = arith.constant 0 : i32
    return %c0_i32, %c0_i32_0 : i32, i32
  }
  func.func @transform_4(%arg0: i32) -> (i32, i32) {
    %c0_i32 = arith.constant 0 : i32
    %c0_i32_0 = arith.constant 0 : i32
    %c0_i32_1 = arith.constant 0 : i32
    return %c0_i32, %c0_i32_0 : i32, i32
  }
  func.func @transform_5(%arg0: i32) -> (i32, i32) {
    %c0_i32 = arith.constant 0 : i32
    %c0_i32_0 = arith.constant 0 : i32
    %c0_i32_1 = arith.constant 0 : i32
    return %c0_i32, %c0_i32_0 : i32, i32
  }
  func.func @transform_6(%arg0: i32) -> (i32, i32, i32) {
    %c0_i32 = arith.constant 0 : i32
    %c0_i32_0 = arith.constant 0 : i32
    %c0_i32_1 = arith.constant 0 : i32
    return %c0_i32, %arg0, %c0_i32_0 : i32, i32, i32
  }
  func.func @transform_7(%arg0: i32) -> (i32, i32) {
    %c0_i32 = arith.constant 0 : i32
    %c0_i32_0 = arith.constant 0 : i32
    return %arg0, %c0_i32 : i32, i32
  }
}

module attributes {stable_mosaic.version = 14 : i64} {
  func.func @_tc2_body(%arg0: i32, %arg1: memref<2x512x64xf32, #tpu.memory_space<vmem>>, %arg2: memref<512x64xf32, #tpu.memory_space<vmem>>, %arg3: memref<2x512x1xf32, #tpu.memory_space<vmem>>, %arg4: memref<1x64xf32, #tpu.memory_space<vmem>>, %arg5: memref<64x64xf32, #tpu.memory_space<vmem>>, %arg6: memref<512x64xf32, #tpu.memory_space<vmem>>) attributes {dimension_semantics = [#tpu.dimension_semantics<arbitrary>], iteration_bounds = array<i64: 20>, scalar_prefetch = 0 : i64, scratch_operands = 0 : i64, tpu.core_type = #tpu.core_type<tc>, window_params = [{transform_indices = @transform_0, window_bounds = array<i64: 2, 512, 64>}, {transform_indices = @transform_1, window_bounds = array<i64: 512, 64>}, {transform_indices = @transform_2, window_bounds = array<i64: 2, 512, 1>}, {pipeline_mode = #tpu.pipeline_mode<synchronous>, transform_indices = @transform_3, window_bounds = array<i64: 1, 64>}, {pipeline_mode = #tpu.pipeline_mode<synchronous>, transform_indices = @transform_4, window_bounds = array<i64: 64, 64>}, {transform_indices = @transform_5, window_bounds = array<i64: 512, 64>}]} {
    %get3A = arith.constant 0 : index
    %get3A_0 = arith.constant 0 : index
    %get3A_1 = arith.constant 0 : index
    %get3A_2 = vector.load %arg3[%get3A, %get3A_0, %get3A_1] : memref<2x512x1xf32, #tpu.memory_space<vmem>>, vector<2x512x1xf32>
    %slice3A = vector.extract_strided_slice %get3A_2 {offsets = [0, 0, 0], sizes = [1, 512, 1], strides = [1, 1, 1]} : vector<2x512x1xf32> to vector<1x512x1xf32>
    %squeeze3A = vector.shape_cast %slice3A : vector<1x512x1xf32> to vector<512x1xf32>
    %slice3A_3 = vector.extract_strided_slice %get3A_2 {offsets = [1, 0, 0], sizes = [1, 512, 1], strides = [1, 1, 1]} : vector<2x512x1xf32> to vector<1x512x1xf32>
    %squeeze3A_4 = vector.shape_cast %slice3A_3 : vector<1x512x1xf32> to vector<512x1xf32>
    %add3A = arith.addf %squeeze3A, %squeeze3A_4 : vector<512x1xf32>
    %add3A_5 = arith.constant 1.000000e+00 : f32
    %add3A_6 = vector.broadcast %add3A_5 : f32 to vector<512x1xf32>
    %add3A_7 = arith.addf %add3A, %add3A_6 : vector<512x1xf32>
    %rsqrt3A = math.rsqrt %add3A_7 : vector<512x1xf32>
    %get3A_8 = arith.constant 0 : index
    %get3A_9 = arith.constant 0 : index
    %get3A_10 = arith.constant 0 : index
    %get3A_11 = vector.load %arg1[%get3A_8, %get3A_9, %get3A_10] : memref<2x512x64xf32, #tpu.memory_space<vmem>>, vector<2x512x64xf32>
    %slice3A_12 = vector.extract_strided_slice %get3A_11 {offsets = [0, 0, 0], sizes = [1, 512, 64], strides = [1, 1, 1]} : vector<2x512x64xf32> to vector<1x512x64xf32>
    %squeeze3A_13 = vector.shape_cast %slice3A_12 : vector<1x512x64xf32> to vector<512x64xf32>
    %slice3A_14 = vector.extract_strided_slice %get3A_11 {offsets = [1, 0, 0], sizes = [1, 512, 64], strides = [1, 1, 1]} : vector<2x512x64xf32> to vector<1x512x64xf32>
    %squeeze3A_15 = vector.shape_cast %slice3A_14 : vector<1x512x64xf32> to vector<512x64xf32>
    %add3A_16 = arith.addf %squeeze3A_13, %squeeze3A_15 : vector<512x64xf32>
    %get3A_17 = arith.constant 0 : index
    %get3A_18 = arith.constant 0 : index
    %get3A_19 = vector.load %arg2[%get3A_17, %get3A_18] : memref<512x64xf32, #tpu.memory_space<vmem>>, vector<512x64xf32>
    %add3A_20 = arith.addf %add3A_16, %get3A_19 : vector<512x64xf32>
    %mul3A = vector.broadcast %rsqrt3A : vector<512x1xf32> to vector<512x64xf32>
    %mul3A_21 = arith.mulf %mul3A, %add3A_20 : vector<512x64xf32>
    %get3A_22 = arith.constant 0 : index
    %get3A_23 = arith.constant 0 : index
    %get3A_24 = vector.load %arg4[%get3A_22, %get3A_23] : memref<1x64xf32, #tpu.memory_space<vmem>>, vector<1x64xf32>
    %add3A_25 = vector.broadcast %get3A_24 : vector<1x64xf32> to vector<512x64xf32>
    %add3A_26 = arith.addf %mul3A_21, %add3A_25 : vector<512x64xf32>
    %gt3A = arith.constant 0.000000e+00 : f32
    %gt3A_27 = vector.broadcast %gt3A : f32 to vector<512x64xf32>
    %gt3A_28 = arith.cmpf ogt, %add3A_26, %gt3A_27 : vector<512x64xf32>
    %mul3A_29 = arith.constant 0.00999999977 : f32
    %mul3A_30 = vector.broadcast %mul3A_29 : f32 to vector<512x64xf32>
    %mul3A_31 = arith.mulf %mul3A_30, %add3A_26 : vector<512x64xf32>
    %select_n3A = arith.select %gt3A_28, %add3A_26, %mul3A_31 : vector<512x64xi1>, vector<512x64xf32>
    %get3A_32 = arith.constant 0 : index
    %get3A_33 = arith.constant 0 : index
    %get3A_34 = vector.load %arg5[%get3A_32, %get3A_33] : memref<64x64xf32, #tpu.memory_space<vmem>>, vector<64x64xf32>
    %dot_general3A = arith.constant dense<0.000000e+00> : vector<512x64xf32>
    %dot_general3A_35 = tpu.matmul %select_n3A, %get3A_34, %dot_general3A {dimension_numbers = #tpu.dot_dimension_numbers<[1], [0], [0], [1], [0, 0, 1, 1], [], []>, transpose_lhs_hint = false} : vector<512x64xf32>, vector<64x64xf32>, vector<512x64xf32> -> vector<512x64xf32>
    %mul3A_36 = vector.broadcast %rsqrt3A : vector<512x1xf32> to vector<512x64xf32>
    %mul3A_37 = arith.mulf %dot_general3A_35, %mul3A_36 : vector<512x64xf32>
    %swap3A = arith.constant 0 : index
    %swap3A_38 = arith.constant 0 : index
    %swap3A_39 = vector.load %arg6[%swap3A, %swap3A_38] : memref<512x64xf32, #tpu.memory_space<vmem>>, vector<512x64xf32>
    tpu.vector_store %arg6[%swap3A, %swap3A_38], %mul3A_37 {strides = array<i32>} : memref<512x64xf32, #tpu.memory_space<vmem>>, vector<512x64xf32>,
    return
  }
  func.func @transform_0(%arg0: i32) -> (i32, i32, i32) {
    %c0_i32 = arith.constant 0 : i32
    %c0_i32_0 = arith.constant 0 : i32
    %c0_i32_1 = arith.constant 0 : i32
    return %c0_i32, %arg0, %c0_i32_0 : i32, i32, i32
  }
  func.func @transform_1(%arg0: i32) -> (i32, i32) {
    %c0_i32 = arith.constant 0 : i32
    %c0_i32_0 = arith.constant 0 : i32
    return %arg0, %c0_i32 : i32, i32
  }
  func.func @transform_2(%arg0: i32) -> (i32, i32, i32) {
    %c0_i32 = arith.constant 0 : i32
    %c0_i32_0 = arith.constant 0 : i32
    %c0_i32_1 = arith.constant 0 : i32
    return %c0_i32, %arg0, %c0_i32_0 : i32, i32, i32
  }
  func.func @transform_3(%arg0: i32) -> (i32, i32) {
    %c0_i32 = arith.constant 0 : i32
    %c0_i32_0 = arith.constant 0 : i32
    %c0_i32_1 = arith.constant 0 : i32
    return %c0_i32, %c0_i32_0 : i32, i32
  }
  func.func @transform_4(%arg0: i32) -> (i32, i32) {
    %c0_i32 = arith.constant 0 : i32
    %c0_i32_0 = arith.constant 0 : i32
    %c0_i32_1 = arith.constant 0 : i32
    return %c0_i32, %c0_i32_0 : i32, i32
  }
  func.func @transform_5(%arg0: i32) -> (i32, i32) {
    %c0_i32 = arith.constant 0 : i32
    %c0_i32_0 = arith.constant 0 : i32
    return %arg0, %c0_i32 : i32, i32
  }
}

module attributes {stable_mosaic.version = 14 : i64} {
  func.func @_tc3_body(%arg0: i32, %arg1: memref<2x512x64xf32, #tpu.memory_space<vmem>>, %arg2: memref<512x64xf32, #tpu.memory_space<vmem>>, %arg3: memref<2x512x1xf32, #tpu.memory_space<vmem>>, %arg4: memref<1x64xf32, #tpu.memory_space<vmem>>, %arg5: memref<64x2xf32, #tpu.memory_space<vmem>>, %arg6: memref<1x2xf32, #tpu.memory_space<vmem>>, %arg7: memref<512x2xf32, #tpu.memory_space<vmem>>, %arg8: memref<512x64xf32, #tpu.memory_space<vmem>>) attributes {dimension_semantics = [#tpu.dimension_semantics<arbitrary>], iteration_bounds = array<i64: 20>, scalar_prefetch = 0 : i64, scratch_operands = 0 : i64, tpu.core_type = #tpu.core_type<tc>, window_params = [{transform_indices = @transform_0, window_bounds = array<i64: 2, 512, 64>}, {transform_indices = @transform_1, window_bounds = array<i64: 512, 64>}, {transform_indices = @transform_2, window_bounds = array<i64: 2, 512, 1>}, {pipeline_mode = #tpu.pipeline_mode<synchronous>, transform_indices = @transform_3, window_bounds = array<i64: 1, 64>}, {pipeline_mode = #tpu.pipeline_mode<synchronous>, transform_indices = @transform_4, window_bounds = array<i64: 64, 2>}, {pipeline_mode = #tpu.pipeline_mode<synchronous>, transform_indices = @transform_5, window_bounds = array<i64: 1, 2>}, {transform_indices = @transform_6, window_bounds = array<i64: 512, 2>}, {transform_indices = @transform_7, window_bounds = array<i64: 512, 64>}]} {
    %get3A = arith.constant 0 : index
    %get3A_0 = arith.constant 0 : index
    %get3A_1 = arith.constant 0 : index
    %get3A_2 = vector.load %arg3[%get3A, %get3A_0, %get3A_1] : memref<2x512x1xf32, #tpu.memory_space<vmem>>, vector<2x512x1xf32>
    %slice3A = vector.extract_strided_slice %get3A_2 {offsets = [0, 0, 0], sizes = [1, 512, 1], strides = [1, 1, 1]} : vector<2x512x1xf32> to vector<1x512x1xf32>
    %squeeze3A = vector.shape_cast %slice3A : vector<1x512x1xf32> to vector<512x1xf32>
    %slice3A_3 = vector.extract_strided_slice %get3A_2 {offsets = [1, 0, 0], sizes = [1, 512, 1], strides = [1, 1, 1]} : vector<2x512x1xf32> to vector<1x512x1xf32>
    %squeeze3A_4 = vector.shape_cast %slice3A_3 : vector<1x512x1xf32> to vector<512x1xf32>
    %add3A = arith.addf %squeeze3A, %squeeze3A_4 : vector<512x1xf32>
    %add3A_5 = arith.constant 1.000000e+00 : f32
    %add3A_6 = vector.broadcast %add3A_5 : f32 to vector<512x1xf32>
    %add3A_7 = arith.addf %add3A, %add3A_6 : vector<512x1xf32>
    %rsqrt3A = math.rsqrt %add3A_7 : vector<512x1xf32>
    %get3A_8 = arith.constant 0 : index
    %get3A_9 = arith.constant 0 : index
    %get3A_10 = arith.constant 0 : index
    %get3A_11 = vector.load %arg1[%get3A_8, %get3A_9, %get3A_10] : memref<2x512x64xf32, #tpu.memory_space<vmem>>, vector<2x512x64xf32>
    %slice3A_12 = vector.extract_strided_slice %get3A_11 {offsets = [0, 0, 0], sizes = [1, 512, 64], strides = [1, 1, 1]} : vector<2x512x64xf32> to vector<1x512x64xf32>
    %squeeze3A_13 = vector.shape_cast %slice3A_12 : vector<1x512x64xf32> to vector<512x64xf32>
    %slice3A_14 = vector.extract_strided_slice %get3A_11 {offsets = [1, 0, 0], sizes = [1, 512, 64], strides = [1, 1, 1]} : vector<2x512x64xf32> to vector<1x512x64xf32>
    %squeeze3A_15 = vector.shape_cast %slice3A_14 : vector<1x512x64xf32> to vector<512x64xf32>
    %add3A_16 = arith.addf %squeeze3A_13, %squeeze3A_15 : vector<512x64xf32>
    %get3A_17 = arith.constant 0 : index
    %get3A_18 = arith.constant 0 : index
    %get3A_19 = vector.load %arg2[%get3A_17, %get3A_18] : memref<512x64xf32, #tpu.memory_space<vmem>>, vector<512x64xf32>
    %add3A_20 = arith.addf %add3A_16, %get3A_19 : vector<512x64xf32>
    %mul3A = vector.broadcast %rsqrt3A : vector<512x1xf32> to vector<512x64xf32>
    %mul3A_21 = arith.mulf %mul3A, %add3A_20 : vector<512x64xf32>
    %get3A_22 = arith.constant 0 : index
    %get3A_23 = arith.constant 0 : index
    %get3A_24 = vector.load %arg4[%get3A_22, %get3A_23] : memref<1x64xf32, #tpu.memory_space<vmem>>, vector<1x64xf32>
    %add3A_25 = vector.broadcast %get3A_24 : vector<1x64xf32> to vector<512x64xf32>
    %add3A_26 = arith.addf %mul3A_21, %add3A_25 : vector<512x64xf32>
    %gt3A = arith.constant 0.000000e+00 : f32
    %gt3A_27 = vector.broadcast %gt3A : f32 to vector<512x64xf32>
    %gt3A_28 = arith.cmpf ogt, %add3A_26, %gt3A_27 : vector<512x64xf32>
    %mul3A_29 = arith.constant 0.00999999977 : f32
    %mul3A_30 = vector.broadcast %mul3A_29 : f32 to vector<512x64xf32>
    %mul3A_31 = arith.mulf %mul3A_30, %add3A_26 : vector<512x64xf32>
    %select_n3A = arith.select %gt3A_28, %add3A_26, %mul3A_31 : vector<512x64xi1>, vector<512x64xf32>
    %swap3A = arith.constant 0 : index
    %swap3A_32 = arith.constant 0 : index
    %swap3A_33 = vector.load %arg8[%swap3A, %swap3A_32] : memref<512x64xf32, #tpu.memory_space<vmem>>, vector<512x64xf32>
    tpu.vector_store %arg8[%swap3A, %swap3A_32], %select_n3A {strides = array<i32>} : memref<512x64xf32, #tpu.memory_space<vmem>>, vector<512x64xf32>,
    %get3A_34 = arith.constant 0 : index
    %get3A_35 = arith.constant 0 : index
    %get3A_36 = vector.load %arg5[%get3A_34, %get3A_35] : memref<64x2xf32, #tpu.memory_space<vmem>>, vector<64x2xf32>
    %dot_general3A = arith.constant dense<0.000000e+00> : vector<512x2xf32>
    %dot_general3A_37 = tpu.matmul %select_n3A, %get3A_36, %dot_general3A {dimension_numbers = #tpu.dot_dimension_numbers<[1], [0], [0], [1], [0, 0, 1, 1], [], []>, transpose_lhs_hint = false} : vector<512x64xf32>, vector<64x2xf32>, vector<512x2xf32> -> vector<512x2xf32>
    %get3A_38 = arith.constant 0 : index
    %get3A_39 = arith.constant 0 : index
    %get3A_40 = vector.load %arg6[%get3A_38, %get3A_39] : memref<1x2xf32, #tpu.memory_space<vmem>>, vector<1x2xf32>
    %add3A_41 = vector.broadcast %get3A_40 : vector<1x2xf32> to vector<512x2xf32>
    %add3A_42 = arith.addf %dot_general3A_37, %add3A_41 : vector<512x2xf32>
    %swap3A_43 = arith.constant 0 : index
    %swap3A_44 = arith.constant 0 : index
    %swap3A_45 = vector.load %arg7[%swap3A_43, %swap3A_44] : memref<512x2xf32, #tpu.memory_space<vmem>>, vector<512x2xf32>
    tpu.vector_store %arg7[%swap3A_43, %swap3A_44], %add3A_42 {strides = array<i32>} : memref<512x2xf32, #tpu.memory_space<vmem>>, vector<512x2xf32>,
    return
  }
  func.func @transform_0(%arg0: i32) -> (i32, i32, i32) {
    %c0_i32 = arith.constant 0 : i32
    %c0_i32_0 = arith.constant 0 : i32
    %c0_i32_1 = arith.constant 0 : i32
    return %c0_i32, %arg0, %c0_i32_0 : i32, i32, i32
  }
  func.func @transform_1(%arg0: i32) -> (i32, i32) {
    %c0_i32 = arith.constant 0 : i32
    %c0_i32_0 = arith.constant 0 : i32
    return %arg0, %c0_i32 : i32, i32
  }
  func.func @transform_2(%arg0: i32) -> (i32, i32, i32) {
    %c0_i32 = arith.constant 0 : i32
    %c0_i32_0 = arith.constant 0 : i32
    %c0_i32_1 = arith.constant 0 : i32
    return %c0_i32, %arg0, %c0_i32_0 : i32, i32, i32
  }
  func.func @transform_3(%arg0: i32) -> (i32, i32) {
    %c0_i32 = arith.constant 0 : i32
    %c0_i32_0 = arith.constant 0 : i32
    %c0_i32_1 = arith.constant 0 : i32
    return %c0_i32, %c0_i32_0 : i32, i32
  }
  func.func @transform_4(%arg0: i32) -> (i32, i32) {
    %c0_i32 = arith.constant 0 : i32
    %c0_i32_0 = arith.constant 0 : i32
    %c0_i32_1 = arith.constant 0 : i32
    return %c0_i32, %c0_i32_0 : i32, i32
  }
  func.func @transform_5(%arg0: i32) -> (i32, i32) {
    %c0_i32 = arith.constant 0 : i32
    %c0_i32_0 = arith.constant 0 : i32
    %c0_i32_1 = arith.constant 0 : i32
    return %c0_i32, %c0_i32_0 : i32, i32
  }
  func.func @transform_6(%arg0: i32) -> (i32, i32) {
    %c0_i32 = arith.constant 0 : i32
    %c0_i32_0 = arith.constant 0 : i32
    return %arg0, %c0_i32 : i32, i32
  }
  func.func @transform_7(%arg0: i32) -> (i32, i32) {
    %c0_i32 = arith.constant 0 : i32
    %c0_i32_0 = arith.constant 0 : i32
    return %arg0, %c0_i32 : i32, i32
  }
}

</mosaic_0001>

<sc_bundles>
// kernel: kernel.11.cloned.1.call-start
scs
__scs_entry_jumppad:
0x0: {  	(pc) =	sbr.rel $0x88, $3  }
0x1: {  	(tag) =	ssettag $0x0;
	lr =	simm.s32 $0x1  }
0x2: {  	[smem:$0x3F95] =	sst lr;
	_ =	strace $0xD0000000  }
0x3: {  	_ = 	snop  }
0x4: {  	_ = 	snop  }
0x5: {  	_ = 	snop  }
0x6: {  	_ = 	snop  }
0x7: {  	_ = 	snop  }
__scs_overlays_trampoline_lowered:
0x8: {  	[smem:$0x3FA4] =	sst s0  }
0x9: {  	[smem:$0x3FA5] =	sst s1  }
0xa: {  	[smem:$0x3FA6] =	sst s2  }
0xb: {  	[smem:$0x3FA7] =	sst s3  }
0xc: {  	[smem:$0x3FA8] =	sst s4  }
0xd: {  	[smem:$0x3FA9] =	sst s5  }
0xe: {  	[smem:$0x3FAA] =	sst s6  }
0xf: {  	[smem:$0x3FAB] =	sst s7  }
0x10: {  	[smem:$0x3FAC] =	sst s8  }
0x11: {  	[smem:$0x3FAD] =	sst s9;
	s0 =	simm.s32 @!p0 $0x0  }
0x12: {  	s1 =	sld [smem:$0x3F93];
	s0 =	simm.s32 @p0 $0x1  }
0x13: {  	[smem:$0x3FAE] =	sst s0;
	s0 =	simm.s32 @!p1 $0x0  }
0x14: {  	s2 =	sld [smem:$0x3F92];
	s0 =	simm.s32 @p1 $0x1  }
0x15: {  	[smem:$0x3FAF] =	sst s0;
	s0 =	simm.s32 @!p2 $0x0  }
0x16: {  	s3 =	sld [smem:$0x3FDB];
	s0 =	simm.s32 @p2 $0x1  }
0x17: {  	s4 =	simm.s32 $0x1BF5;
	[smem:$0x3FB1] =	sst s0  }
0x18: {  	s0 =	sld [smem:$0x3F94];
	_ =	swait.ge [sflag:s4], $0x0  }
0x19: {  	s7 =	sld [smem:$0x3F95]  }
0x1a: {  	s8 =	sadd.s32 $0xFFFFE003, lr  }
0x1b: {  	s9 =	sadd.s32 $0xFFFFFEF7, lr;
	s5 =	simm.s32 $0xFFFFFFFF;
	p2 =	slt.u32 s8, $0xFFFFF086  }
0x1c: {  	p1 =	slt.u32 s9, $0xF7A;
	s5 =	simm.s32 @!p2 $0x0  }
0x1d: {  	s5 =	simm.s32 @p1 $0x1;
	p0 =	seq.s32 s7, s2  }
0x1e: {  	s7 =	smul.u32 @!p0 $0xF7A, s2;
	p2 =	seq.s32 @!p0 s5, $0x0  }
0x1f: {  	s9 =	smul.u32 $0xF7A, s1;
	s8 =	simm.s32 @!p0 $0x1BF5;
	p2 =	por !p2, p0  }
0x20: {  	[sflag:s8] =	ssyncset.s32 @!p0 $0xFFFFF086;
	s6 =	sadd.s32 @!p0 s3, s7;
	s7 =	simm.s32 @!p0 $0x108  }
0x21: {  	s3 =	sadd.s32 s3, s9;
	s6 =	sadd.s32 @!p0 $0x88, s6;
	s7 =	simm.s32 @p2 $0x1082  }
0x22: {  	[simem:s7], [sflag:s8] =	dma.local @!p0 [hbm:s6], $0xF7A  }
0x23: {  	s9 =	sor.u32 $0xD0000000, s2;
	s6 =	simm.s32 $0x108;
	_ =	swait.ge @!p0 [sflag:s8], $0x0  }
0x24: {  	s3 =	sadd.s32 $0x88, s3;
	s6 =	simm.s32 @!p1 $0x1082;
	[sflag:s4] =	ssyncset.s32 $0xFFFFF086  }
0x25: {  	[simem:s6], [sflag:s4] =	dma.local [hbm:s3], $0xF7A  }
0x26: {  	[smem:$0x3F95] =	sst s1;
	(tag) =	ssettag s2;
	_ =	strace s9  }
0x27: {  	s1 =	sld [smem:$0x3FA5]  }
0x28: {  	s2 =	sld [smem:$0x3FA6]  }
0x29: {  	s4 =	sld [smem:$0x3FA8]  }
0x2a: {  	p0 =	seq.s32 s5, $0x0;
	s5 =	sld [smem:$0x3FA9]  }
0x2b: {  	s6 =	sld [smem:$0x3FAA]  }
0x2c: {  	s7 =	sld [smem:$0x3FAB]  }
0x2d: {  	s3 =	simm.s32 $0x108;
	s8 =	sld [smem:$0x3FAC]  }
0x2e: {  	s3 =	simm.s32 @!p0 $0x1082;
	s9 =	sld [smem:$0x3FAD]  }
0x2f: {  	lr =	sadd.s32 s0, s3;
	s0 =	sld [smem:$0x3FA4]  }
0x30: {  	s3 =	sld [smem:$0x3FA7]  }
0x31: {  	[smem:$0x3FB0] =	sst s10  }
0x32: {  	s10 =	sld [smem:$0x3FAE];
	_ =	sdelay $0x3  }
0x33: {  	p0 =	seq.s32 s10, $0x1;
	s10 =	sld [smem:$0x3FB0];
	_ =	sdelay $0x3  }
0x34: {  	[smem:$0x3FB0] =	sst s10  }
0x35: {  	s10 =	sld [smem:$0x3FAF];
	_ =	sdelay $0x3  }
0x36: {  	p1 =	seq.s32 s10, $0x1;
	s10 =	sld [smem:$0x3FB0];
	_ =	sdelay $0x3  }
0x37: {  	[smem:$0x3FB0] =	sst s10  }
0x38: {  	s10 =	sld [smem:$0x3FB1]  }
0x39: {  	_ = 	snop;
	(pc) =	sbr.ind lr, $3  }
0x3a: {  	_ = 	snop  }
0x3b: {  	_ = 	snop  }
0x3c: {  	p2 =	seq.s32 s10, $0x1;
	s10 =	sld [smem:$0x3FB0]  }
0x3d: {  	_ =	shalt  }
0x3e: {  	_ =	shalt  }
0x3f: {  	_ =	shalt  }
0x40: {  	_ =	shalt  }
0x41: {  	_ =	shalt  }
0x42: {  	_ =	shalt  }
0x43: {  	_ =	shalt  }
0x44: {  	_ =	shalt  }
0x45: {  	_ =	shalt  }
0x46: {  	_ =	shalt  }
0x47: {  	_ =	shalt  }
0x48: {  	_ =	shalt  }
0x49: {  	_ =	shalt  }
0x4a: {  	_ =	shalt  }
0x4b: {  	_ =	shalt  }
0x4c: {  	_ =	shalt  }
0x4d: {  	_ =	shalt  }
0x4e: {  	_ =	shalt  }
0x4f: {  	_ =	shalt  }
0x50: {  	_ =	shalt  }
0x51: {  	_ =	shalt  }
0x52: {  	_ =	shalt  }
0x53: {  	_ =	shalt  }
0x54: {  	_ =	shalt  }
0x55: {  	_ =	shalt  }
0x56: {  	_ =	shalt  }
0x57: {  	_ =	shalt  }
0x58: {  	_ =	shalt  }
0x59: {  	_ =	shalt  }
0x5a: {  	_ =	shalt  }
0x5b: {  	_ =	shalt  }
0x5c: {  	_ =	shalt  }
0x5d: {  	_ =	shalt  }
0x5e: {  	_ =	shalt  }
0x5f: {  	_ =	shalt  }
0x60: {  	_ =	shalt  }
0x61: {  	_ =	shalt  }
0x62: {  	_ =	shalt  }
0x63: {  	_ =	shalt  }
0x64: {  	_ =	shalt  }
0x65: {  	_ =	shalt  }
0x66: {  	_ =	shalt  }
0x67: {  	_ =	shalt  }
0x68: {  	_ =	shalt  }
0x69: {  	_ =	shalt  }
0x6a: {  	_ =	shalt  }
0x6b: {  	_ =	shalt  }
0x6c: {  	_ =	shalt  }
0x6d: {  	_ =	shalt  }
0x6e: {  	_ =	shalt  }
0x6f: {  	_ =	shalt  }
0x70: {  	_ =	shalt  }
0x71: {  	_ =	shalt  }
0x72: {  	_ =	shalt  }
0x73: {  	_ =	shalt  }
0x74: {  	_ =	shalt  }
0x75: {  	_ =	shalt  }
0x76: {  	_ =	shalt  }
0x77: {  	_ =	shalt  }
0x78: {  	_ =	shalt  }
0x79: {  	_ =	shalt  }
0x7a: {  	_ =	shalt  }
0x7b: {  	_ =	shalt  }
0x7c: {  	_ =	shalt  }
0x7d: {  	_ =	shalt  }
0x7e: {  	_ =	shalt  }
0x7f: {  	_ =	shalt  }
0x80: {  	_ =	shalt  }
0x81: {  	_ =	shalt  }
0x82: {  	_ =	shalt  }
0x83: {  	_ =	shalt  }
0x84: {  	_ =	shalt  }
0x85: {  	_ =	shalt  }
0x86: {  	_ =	shalt  }
0x87: {  	_ =	shalt  }
.Lfunc_end0:
.L_simem_size_0:
called_computation.1_lowered:
.L_overlay_start_0:
0x88: {  	s2 =	sld [smem:$0x3FD9]  }
0x89: {  	s3 =	sld [smem:$0x3FFE];
	_ =	sdelay $0x1  }
0x8a: {  	s1 =	srdreg.scid  }
0x8b: {  	s0 =	sand.u32 $0x1, s1  }
0x8c: {  	s14 =	sshll.u32 s0, $0xA;
	s2 =	sadd.s32 s3, s2  }
0x8d: {  	s2 =	sadd.s32 s2, s14  }
0x8e: {  	[smem:$0x3FBC] =	sst s2  }
0x8f: {  	_ = 	snop  }
0x90: {  	s2 =	sld [smem:$0x3FD0];
	_ =	sdelay $0x2  }
0x91: {  	s15 =	simm.s32 $0xA;
	s4 =	simm.s32 $0x10  }
0x92: {  	[smem:s4], [sflag:s15] =	dma.local [hbm:s2], $0x1  }
0x93: {  	_ =	swait.eq [sflag:s15], $0x1  }
0x94: {  	[sflag:s15] =	ssyncset.done $0x0  }
0x95: {  	[sflag:s15] =	ssyncadd.s32 $0xFFFFFFFF  }
0x96: {  	s16 =	sld [smem:$0x11];
	(tm) =	ssettm $0x1  }
0x97: {  	s17 =	sld [smem:$0x3FFB];
	_ =	sdelay $0x3  }
0x98: {  	_ =	strace s17  }
0x99: {  	s3 =	sld [smem:$0x3FFC];
	_ =	sdelay $0x3  }
0x9a: {  	_ =	strace s3  }
0x9b: {  	s3 =	sld [smem:$0x3FFD];
	_ =	sdelay $0x3  }
0x9c: {  	_ =	strace s3  }
0x9d: {  	_ =	strace $0x8FFFFFFF  }
0x9e: {  	s18 =	sld [smem:$0x3FDB];
	_ =	sdelay $0x1  }
0x9f: {  	s19 =	simm.s32 $_scs_section_size  }
0xa0: {  	s5 =	simm.s32 $_size__tile_overlayer_lowered;
	s6 =	simm.s32 $_tile_overlayer_lowered  }
0xa1: {  	s22 =	simm.s32 $0x1BFF;
	s21 =	sshll.u32 s6, $0x1;
	s3 =	sadd.s32 s19, s18  }
0xa2: {  	s7 =	simm.s32 $0x0;
	s20 =	sshll.u32 s5, $0x1;
	s5 =	sadd.s32 s21, s3  }
0xa3: {  	[timem:s7], [sflag:s22] =	dma.local [hbm:s5], s20  }
0xa4: {  	_ =	swait.ge [sflag:s22], s20  }
0xa5: {  	s4 =	ssub.s32 $0x0, s20;
	[sflag:s22] =	ssyncset.done $0x0  }
0xa6: {  	[sflag:s22] =	ssyncadd.s32 s4;
	_ =	sdelay $0x1  }
0xa7: {  	s23 =	simm.s32 $0x1B8B  }
0xa8: {  	_ =	swait.ge [sflag:s23], $0x1  }
0xa9: {  	[sflag:s23] =	ssyncset.done $0x0  }
0xaa: {  	s25 =	simm.s32 $0x1B8E;
	s24 =	sld [smem:$0x3FFE];
	[sflag:s23] =	ssyncadd.s32 $0xFFFFFFFF  }
0xab: {  	s26 =	simm.s32 $execute0_lowered;
	[smem:$0x3FD2] =	sst s25  }
0xac: {  	s5 =	sshll.u32 s26, $0x1;
	_ =	strace $0x80000049;
	[dreg:$0x1] =	wrdreg $0xFFFFFFFF  }
0xad: {  	s28 =	simm.s32 $_size_execute0_lowered;
	s3 =	sadd.s32 s3, s5;
	[dreg:$0x0] =	wrdreg $0x0  }
0xae: {  	s5 =	sshll.u32 s28, $0x1;
	[dreg:$0x2] =	wrdreg s3  }
0xaf: {  	[dreg:$0x3] =	wrdreg s5  }
0xb0: {  	[dreg:$0x4] =	wrdreg $0xC0  }
0xb1: {  	_ =	task [dreg:s7], $0x5FFFF  }
0xb2: {  	[dreg:$0x1] =	wrdreg $0xFFFFFFFF  }
0xb3: {  	[dreg:$0x0] =	wrdreg $0x60  }
0xb4: {  	[dreg:$0x2] =	wrdreg s24  }
0xb5: {  	[dreg:$0x3] =	wrdreg s16  }
0xb6: {  	[dreg:$0x4] =	wrdreg $0x90000  }
0xb7: {  	[dreg:$0x5] =	wrdreg $0x130000  }
0xb8: {  	[dreg:$0x6] =	wrdreg $0x9  }
0xb9: {  	_ =	task.clear_ibuf [dreg:s7], $0x7FFFF;
	_ =	strace $0x90000049  }
0xba: {  	s29 =	simm.s32 $0x9;
	_ =	strace $0x8000004B  }
0xbb: {  	_ =	swait.ge [sflag:s29], $0x1  }
0xbc: {  	[sflag:s29] =	ssyncadd.s32 $0xFFFFFFFF  }
0xbd: {  	_ =	strace $0x9000004B  }
0xbe: {  	_ =	sfence  }
0xbf: {  	s30 =	sld [smem:$0x0];
	_ =	sdelay $0x2  }
0xc0: {  	s31 =	sshll.u32 s1, $0xD;
	s1 =	sshrl.u32 s1, $0x2  }
0xc1: {  	s3 =	sand.u32 $0x4000, s31;
	s1 =	sadd.s32 s1, s30  }
0xc2: {  	s0 =	sor.u32 s3, s0;
	s1 =	sshll.u32 s1, $0x11  }
0xc3: {  	s0 =	sor.u32 s1, s0  }
0xc4: {  	s0 =	sadd.s32 $0x8F2B, s0  }
0xc5: {  	[sflag:s0] =	ssyncadd.remote.s32 $0x1  }
0xc6: {  	_ =	sfence.sel $0xFFFF  }
0xc7: {  	[dreg:$0x0] =	wrdreg $0xFFFFFFFF;
	(pc) =	sbr.abs _section_cstart, $3  }
0xc8: {  	[dreg:$0x1] =	wrdreg $0xFFFFFFFF  }
0xc9: {  	_ =	task.clear_ibuf [dreg:s7], $0x2FFFF;
	_ =	strace $0x9FFFFFFF  }
0xca: {  	(tm) =	ssettm $0x7FFFFFFF  }
0xcb: {  	_ =	shalt  }
tec
execute0_lowered:
.L_overlay_start_1:
0x0: {  	(tag) =	ssettag $0x1  }
0x1: {  	s5 =	rddreg [dreg:$0x0]  }
0x2: {  	s9 =	rddreg [dreg:$0x1]  }
0x3: {  	s2 =	rddreg [dreg:$0x2]  }
0x4: {  	s3 =	rddreg [dreg:$0x3]  }
0x5: {  	s0 =	rddreg [dreg:$0x4];
	s1 =	stileid.u32  }
0x6: {  	s4 =	simm.s32 $0x0;
	s6 =	srdreg.scid;
	s18 =	simm.s32 $0x5000  }
0x7: {  	s19 =	simm.s32 $0x2800;
	s20 =	simm.s32 $0x80;
	s21 =	simm.s32 $0x1  }
0x8: {  	s22 =	simm.s32 $0x7000;
	s23 =	simm.s32 $0x2880;
	s24 =	simm.s32 $0x2  }
0x9: {  	s28 =	simm.s32 $0x0;
	s11 =	smul.u32 $0xA000, s1;
	[smem:$0x7FF] =	sst s4  }
0xa: {  	s6 =	sand.u32 $0x1, s6;
	s8 =	sshll.u32 s1, $0x1;
	s13 =	smul.u32 $0x28000, s1  }
0xb: {  	s30 =	sshll.u32 s1, $0x6;
	s10 =	smul.u32 $0xA0000, s6;
	_ =	strace $0x8000004A  }
0xc: {  	s8 =	sor.u32 s6, s8;
	s6 =	ssub.s32 $0x2, s6;
	s7 =	sshrl.u32 s11, $0x3  }
0xd: {  	s12 =	smul.u32 $0x500, s8;
	s29 =	sshrl.u32 s6, $0x1;
	s17 =	sadd.s32 s11, s2  }
0xe: {  	s31 =	sshrl.u32 s13, $0x2;
	s25 =	sadd.s32 s11, s3;
	s7 =	sadd.s32 s7, s5  }
0xf: {  	s26 =	sadd.s32 s11, s10;
	s16 =	ssub.s32 s6, s29;
	s6 =	sor.u32 $0x1C03, s30  }
0x10: {  	s25 =	sshrl.u32 s25, $0x3;
	s8 =	sshrl.u32 s26, $0x3;
	s14 =	sadd.s32 s12, s5  }
.Ltmp0:
0x11: {  	s9 =	sadd.s32 s9, s12;
	s11 =	smax.u32 s16, $0x1;
	(pc) =	sbr.rel .LBB2_1-.Ltmp0, $4  }
0x12: {  	s16 =	sshrl.u32 s17, $0x3;
	s17 =	simm.s32 $0x3;
	s26 =	simm.s32 $0x100  }
0x13: {  	s15 =	sadd.s32 s8, s5;
	s5 =	sadd.s32 $0x85200, s7;
	s7 =	sadd.s32 s31, s3  }
0x14: {  	s8 =	sadd.s32 $0x3200, s14;
	s10 =	sadd.s32 $0x99200, s15;
	s12 =	sadd.s32 $0x2000, s7  }
0x15: {  	v0 =	vimm.f32 $0.0e+00;
	s13 =	sadd.s32 $0x4000, s7;
	s14 =	sadd.s32 $0x6000, s7;
	s15 =	sadd.s32 $0x8000, s7  }
.LBB2_6:
0x16: {  	_ =	swait.ge [sflag:s24], $0x2000  }
0x17: {  	s28 =	sadd.s32 $0x1, s28;
	[sflag:s24] =	ssyncset.done $0x0  }
0x18: {  	p0 =	sne.s32 s28, s11;
	[sflag:s24] =	ssyncadd.s32 $0xFFFFE000  }
.Ltmp1:
0x19: {  	[bflag:$0x0] =	sbarrier.arrive $0xFFFF;
	(pc) =	sbr.rel @!p0 .LBB2_7-.Ltmp1, $4  }
0x1a: {  	[hbm:s10], [sflag:s6] =	dma.local [spmem:s25], $0x1400  }
0x1b: {  	_ =	swait.ge [sflag:s17], $0x1400  }
0x1c: {  	[sflag:s17] =	ssyncset.done $0x0  }
0x1d: {  	[sflag:s17] =	ssyncadd.s32 $0xFFFFEC00  }
.LBB2_1:
0x1e: {  	[spmem:s16], [sflag:s6] =	dma.local [hbm:s5], $0x1400  }
0x1f: {  	_ =	swait.ge [sflag:s17], $0x1400  }
0x20: {  	s30 =	sand.u32 $0x7FC0, s4;
	[sflag:s17] =	ssyncset.done $0x0  }
0x21: {  	s29 =	simm.s32 $0x40;
	s30 =	sshrl.u32 s30, $0x2;
	[sflag:s17] =	ssyncadd.s32 $0xFFFFEC00  }
.LBB2_2:
0x22: {  	p0 =	sne.s32 s29, $0x7FC0;
	[tilespmem:s30+$0x5000] =	vst v0;
	s30 =	smov.u32 s29;
	s29 =	sadd.s32 $0x40, s29  }
.Ltmp2:
0x23: {  	(pc) =	sbr.rel @p0 .LBB2_2-.Ltmp2, $3  }
0x24: {  	_ =	sdelay $0x1  }
0x25: {  	s30 =	sand.u32 $0x7FC0, s30  }
0x26: {  	s30 =	sshrl.u32 s30, $0x2  }
0x27: {  	[tilespmem:s30+$0x5000] =	vst v0  }
0x28: {  	[spmem:s7] =	stream.linear.scatter [tilespmem:s18], [sflag:$0x3], $0x2000, $0x38;
	[tilespmem:$0x1D000] =	vst v63  }
0x29: {  	_ =	swait.ge [sflag:s17], $0x2000  }
0x2a: {  	[sflag:s17] =	ssyncset.done $0x0  }
0x2b: {  	[sflag:s17] =	ssyncadd.s32 $0xFFFFE000  }
0x2c: {  	[spmem:s12] =	stream.linear.scatter [tilespmem:s18], [sflag:$0x3], $0x2000, $0x38;
	[tilespmem:$0x1D000] =	vst v63  }
0x2d: {  	_ =	swait.ge [sflag:s17], $0x2000  }
0x2e: {  	[sflag:s17] =	ssyncset.done $0x0  }
0x2f: {  	[sflag:s17] =	ssyncadd.s32 $0xFFFFE000  }
0x30: {  	[spmem:s13] =	stream.linear.scatter [tilespmem:s18], [sflag:$0x3], $0x2000, $0x38;
	[tilespmem:$0x1D000] =	vst v63  }
0x31: {  	_ =	swait.ge [sflag:s17], $0x2000  }
0x32: {  	[sflag:s17] =	ssyncset.done $0x0  }
0x33: {  	[sflag:s17] =	ssyncadd.s32 $0xFFFFE000  }
0x34: {  	[spmem:s14] =	stream.linear.scatter [tilespmem:s18], [sflag:$0x3], $0x2000, $0x38;
	[tilespmem:$0x1D000] =	vst v63  }
0x35: {  	_ =	swait.ge [sflag:s17], $0x2000  }
0x36: {  	[sflag:s17] =	ssyncset.done $0x0  }
0x37: {  	[sflag:s17] =	ssyncadd.s32 $0xFFFFE000  }
0x38: {  	[spmem:s15] =	stream.linear.scatter [tilespmem:s18], [sflag:$0x3], $0x2000, $0x38;
	[tilespmem:$0x1D000] =	vst v63  }
0x39: {  	_ =	swait.ge [sflag:s17], $0x2000  }
0x3a: {  	[sflag:s17] =	ssyncset.done $0x0  }
0x3b: {  	[sflag:s17] =	ssyncadd.s32 $0xFFFFE000  }
0x3c: {  	[tilespmem:s4], [sflag:$0x3] =	stream.linear.gather [hbm4b:s8+s4], $0x2800, $0x38;
	[tilespmem:$0x1D000] =	vst v63  }
0x3d: {  	_ =	swait.ge [sflag:s17], $0x2800  }
0x3e: {  	[sflag:s17] =	ssyncset.done $0x0  }
0x3f: {  	[sflag:s17] =	ssyncadd.s32 $0xFFFFD800  }
0x40: {  	[tilespmem:s19], [sflag:$0x3] =	stream.linear.gather [hbm4b:s9+s4], $0x2800, $0x38;
	[tilespmem:$0x1D000] =	vst v63  }
0x41: {  	_ =	swait.ge [sflag:s17], $0x2800  }
0x42: {  	[sflag:s17] =	ssyncset.done $0x0  }
0x43: {  	[sflag:s17] =	ssyncadd.s32 $0xFFFFD800  }
0x44: {  	[bflag:$0x0] =	sbarrier.arrive $0xFFFF  }
0x45: {  	[tilespmem:s18], [sflag:$0x1] =	stream.indirect.gather [spmem:s2], $0x40, s4, s20, $0xb8;
	[tilespmem:$0x1D000] =	vst v63  }
0x46: {  	_ =	swait.ge [sflag:s21], $0x2000  }
0x47: {  	[sflag:s21] =	ssyncset.done $0x0  }
0x48: {  	[sflag:s21] =	ssyncadd.s32 $0xFFFFE000  }
0x49: {  	[spmem:s3] =	stream.indirect.scatter.add.f32 [tilespmem:s18], [sflag:$0x2], $0x40, s19, s20, $0xb8;
	[tilespmem:$0x1D000] =	vst v63  }
0x4a: {  	_ = 	snop  }
0x4b: {  	[tilespmem:s22], [sflag:$0x1] =	stream.indirect.gather [spmem:s2], $0x40, s20, s20, $0xb8;
	[tilespmem:$0x1D000] =	vst v63  }
0x4c: {  	_ =	swait.ge [sflag:s21], $0x2000  }
0x4d: {  	[sflag:s21] =	ssyncset.done $0x0  }
0x4e: {  	[sflag:s21] =	ssyncadd.s32 $0xFFFFE000  }
0x4f: {  	[spmem:s3] =	stream.indirect.scatter.add.f32 [tilespmem:s22], [sflag:$0x2], $0x40, s23, s20, $0xb8;
	[tilespmem:$0x1D000] =	vst v63  }
0x50: {  	_ =	swait.ge [sflag:s24], $0x2000  }
0x51: {  	[sflag:s24] =	ssyncset.done $0x0  }
0x52: {  	s29 =	simm.s32 $0xFFFF6800;
	[sflag:s24] =	ssyncadd.s32 $0xFFFFE000  }
0x53: {  	[tilespmem:s18], [sflag:$0x1] =	stream.indirect.gather [spmem:s2], $0x40, s26, s20, $0xb8;
	[tilespmem:$0x1D000] =	vst v63  }
.LBB2_4:
0x54: {  	_ =	swait.ge [sflag:s21], $0x2000  }
0x55: {  	s30 =	sshra.s32 s29, $0x2;
	[sflag:s21] =	ssyncset.done $0x0  }
0x56: {  	s31 =	sadd.s32 $0x4F00, s30;
	[sflag:s21] =	ssyncadd.s32 $0xFFFFE000  }
0x57: {  	[spmem:s3] =	stream.indirect.scatter.add.f32 [tilespmem:s18], [sflag:$0x2], $0x40, s31, s20, $0xb8;
	[tilespmem:$0x1D000] =	vst v63  }
0x58: {  	_ =	swait.ge [sflag:s24], $0x2000  }
0x59: {  	[sflag:s24] =	ssyncset.done $0x0  }
0x5a: {  	s31 =	sadd.s32 $0x2780, s30;
	[sflag:s24] =	ssyncadd.s32 $0xFFFFE000  }
0x5b: {  	[tilespmem:s22], [sflag:$0x1] =	stream.indirect.gather [spmem:s2], $0x40, s31, s20, $0xb8;
	[tilespmem:$0x1D000] =	vst v63  }
0x5c: {  	_ =	swait.ge [sflag:s21], $0x2000  }
0x5d: {  	p0 =	seq.s32 s29, $0x0;
	[sflag:s21] =	ssyncset.done $0x0  }
.Ltmp3:
0x5e: {  	s31 =	sadd.s32 $0x4F80, s30;
	[sflag:s21] =	ssyncadd.s32 $0xFFFFE000;
	(pc) =	sbr.rel @p0 .LBB2_6-.Ltmp3, $4  }
0x5f: {  	[spmem:s3] =	stream.indirect.scatter.add.f32 [tilespmem:s22], [sflag:$0x2], $0x40, s31, s20, $0xb8;
	[tilespmem:$0x1D000] =	vst v63  }
0x60: {  	_ =	swait.ge [sflag:s24], $0x2000  }
0x61: {  	[sflag:s24] =	ssyncset.done $0x0  }
0x62: {  	[sflag:s24] =	ssyncadd.s32 $0xFFFFE000  }
.Ltmp4:
0x63: {  	(pc) =	sbr.rel .LBB2_4-.Ltmp4, $3  }
0x64: {  	_ =	sdelay $0x1  }
0x65: {  	s30 =	sadd.s32 $0x2800, s30;
	s29 =	sadd.s32 $0x400, s29  }
0x66: {  	[tilespmem:s18], [sflag:$0x1] =	stream.indirect.gather [spmem:s2], $0x40, s30, s20, $0xb8;
	[tilespmem:$0x1D000] =	vst v63  }
.LBB2_7:
0x67: {  	_ =	sfence.sel $0x180000  }
0x68: {  	[bflag:$0x0] =	sbarrier.arrive $0xFFFF  }
0x69: {  	p0 =	sne.s32 s1, $0x0;
	_ =	strace $0x9000004A  }
0x6a: {  	s0 =	sadd.s32 @!p0 $0x100000, s0;
	[bflag:$0x2] =	sbarrier.arrive $0xFFFF  }
0x6b: {  	[sflag:s0] =	ssyncadd.tile.s32 @!p0 $0x1;
	_ =	shalt  }
.Lfunc_end2:
_tile_overlayer_lowered:
.L_overlay_start_2:
0x6c: {  	(tag) =	ssettag $0x2  }
0x6d: {  	s0 =	rddreg [dreg:$0x0];
	s2 =	stileid.u32  }
0x6e: {  	s1 =	rddreg [dreg:$0x1];
	p0 =	sne.s32 s2, $0x0  }
0x6f: {  	s3 =	rddreg [dreg:$0x2];
	[bflag:$0x3] =	sbarrier.arrive $0xFFFF;
	s2 =	simm.s32 @!p0 $0x1C03  }
0x70: {  	[timem:s3], [sflag:s2] =	dma.local @!p0 [hbm:s0], s1  }
0x71: {  	s0 =	simm.s32 @!p0 $0x3  }
0x72: {  	_ =	swait.ge @!p0 [sflag:s0], s1  }
0x73: {  	s1 =	ssub.s32 @!p0 $0x0, s1;
	[sflag:s0] =	ssyncset.done @!p0 $0x0  }
0x74: {  	[sflag:s0] =	ssyncadd.s32 @!p0 s1  }
0x75: {  	[bflag:$0x3] =	sbarrier.arrive $0xFFFF  }
0x76: {  	_ =	shalt  }

// kernel: kernel.14.cloned.1.call-start
scs
__scs_entry_jumppad:
0x0: {  	(pc) =	sbr.rel $0x88, $3  }
0x1: {  	(tag) =	ssettag $0x0;
	lr =	simm.s32 $0x1  }
0x2: {  	[smem:$0x3F95] =	sst lr;
	_ =	strace $0xD0000000  }
0x3: {  	_ = 	snop  }
0x4: {  	_ = 	snop  }
0x5: {  	_ = 	snop  }
0x6: {  	_ = 	snop  }
0x7: {  	_ = 	snop  }
__scs_overlays_trampoline_lowered:
0x8: {  	[smem:$0x3FA4] =	sst s0  }
0x9: {  	[smem:$0x3FA5] =	sst s1  }
0xa: {  	[smem:$0x3FA6] =	sst s2  }
0xb: {  	[smem:$0x3FA7] =	sst s3  }
0xc: {  	[smem:$0x3FA8] =	sst s4  }
0xd: {  	[smem:$0x3FA9] =	sst s5  }
0xe: {  	[smem:$0x3FAA] =	sst s6  }
0xf: {  	[smem:$0x3FAB] =	sst s7  }
0x10: {  	[smem:$0x3FAC] =	sst s8  }
0x11: {  	[smem:$0x3FAD] =	sst s9;
	s0 =	simm.s32 @!p0 $0x0  }
0x12: {  	s1 =	sld [smem:$0x3F93];
	s0 =	simm.s32 @p0 $0x1  }
0x13: {  	[smem:$0x3FAE] =	sst s0;
	s0 =	simm.s32 @!p1 $0x0  }
0x14: {  	s2 =	sld [smem:$0x3F92];
	s0 =	simm.s32 @p1 $0x1  }
0x15: {  	[smem:$0x3FAF] =	sst s0;
	s0 =	simm.s32 @!p2 $0x0  }
0x16: {  	s3 =	sld [smem:$0x3FDB];
	s0 =	simm.s32 @p2 $0x1  }
0x17: {  	s4 =	simm.s32 $0x1BF5;
	[smem:$0x3FB1] =	sst s0  }
0x18: {  	s0 =	sld [smem:$0x3F94];
	_ =	swait.ge [sflag:s4], $0x0  }
0x19: {  	s7 =	sld [smem:$0x3F95]  }
0x1a: {  	s8 =	sadd.s32 $0xFFFFE003, lr  }
0x1b: {  	s9 =	sadd.s32 $0xFFFFFEF7, lr;
	s5 =	simm.s32 $0xFFFFFFFF;
	p2 =	slt.u32 s8, $0xFFFFF086  }
0x1c: {  	p1 =	slt.u32 s9, $0xF7A;
	s5 =	simm.s32 @!p2 $0x0  }
0x1d: {  	s5 =	simm.s32 @p1 $0x1;
	p0 =	seq.s32 s7, s2  }
0x1e: {  	s7 =	smul.u32 @!p0 $0xF7A, s2;
	p2 =	seq.s32 @!p0 s5, $0x0  }
0x1f: {  	s9 =	smul.u32 $0xF7A, s1;
	s8 =	simm.s32 @!p0 $0x1BF5;
	p2 =	por !p2, p0  }
0x20: {  	[sflag:s8] =	ssyncset.s32 @!p0 $0xFFFFF086;
	s6 =	sadd.s32 @!p0 s3, s7;
	s7 =	simm.s32 @!p0 $0x108  }
0x21: {  	s3 =	sadd.s32 s3, s9;
	s6 =	sadd.s32 @!p0 $0x88, s6;
	s7 =	simm.s32 @p2 $0x1082  }
0x22: {  	[simem:s7], [sflag:s8] =	dma.local @!p0 [hbm:s6], $0xF7A  }
0x23: {  	s9 =	sor.u32 $0xD0000000, s2;
	s6 =	simm.s32 $0x108;
	_ =	swait.ge @!p0 [sflag:s8], $0x0  }
0x24: {  	s3 =	sadd.s32 $0x88, s3;
	s6 =	simm.s32 @!p1 $0x1082;
	[sflag:s4] =	ssyncset.s32 $0xFFFFF086  }
0x25: {  	[simem:s6], [sflag:s4] =	dma.local [hbm:s3], $0xF7A  }
0x26: {  	[smem:$0x3F95] =	sst s1;
	(tag) =	ssettag s2;
	_ =	strace s9  }
0x27: {  	s1 =	sld [smem:$0x3FA5]  }
0x28: {  	s2 =	sld [smem:$0x3FA6]  }
0x29: {  	s4 =	sld [smem:$0x3FA8]  }
0x2a: {  	p0 =	seq.s32 s5, $0x0;
	s5 =	sld [smem:$0x3FA9]  }
0x2b: {  	s6 =	sld [smem:$0x3FAA]  }
0x2c: {  	s7 =	sld [smem:$0x3FAB]  }
0x2d: {  	s3 =	simm.s32 $0x108;
	s8 =	sld [smem:$0x3FAC]  }
0x2e: {  	s3 =	simm.s32 @!p0 $0x1082;
	s9 =	sld [smem:$0x3FAD]  }
0x2f: {  	lr =	sadd.s32 s0, s3;
	s0 =	sld [smem:$0x3FA4]  }
0x30: {  	s3 =	sld [smem:$0x3FA7]  }
0x31: {  	[smem:$0x3FB0] =	sst s10  }
0x32: {  	s10 =	sld [smem:$0x3FAE];
	_ =	sdelay $0x3  }
0x33: {  	p0 =	seq.s32 s10, $0x1;
	s10 =	sld [smem:$0x3FB0];
	_ =	sdelay $0x3  }
0x34: {  	[smem:$0x3FB0] =	sst s10  }
0x35: {  	s10 =	sld [smem:$0x3FAF];
	_ =	sdelay $0x3  }
0x36: {  	p1 =	seq.s32 s10, $0x1;
	s10 =	sld [smem:$0x3FB0];
	_ =	sdelay $0x3  }
0x37: {  	[smem:$0x3FB0] =	sst s10  }
0x38: {  	s10 =	sld [smem:$0x3FB1]  }
0x39: {  	_ = 	snop;
	(pc) =	sbr.ind lr, $3  }
0x3a: {  	_ = 	snop  }
0x3b: {  	_ = 	snop  }
0x3c: {  	p2 =	seq.s32 s10, $0x1;
	s10 =	sld [smem:$0x3FB0]  }
0x3d: {  	_ =	shalt  }
0x3e: {  	_ =	shalt  }
0x3f: {  	_ =	shalt  }
0x40: {  	_ =	shalt  }
0x41: {  	_ =	shalt  }
0x42: {  	_ =	shalt  }
0x43: {  	_ =	shalt  }
0x44: {  	_ =	shalt  }
0x45: {  	_ =	shalt  }
0x46: {  	_ =	shalt  }
0x47: {  	_ =	shalt  }
0x48: {  	_ =	shalt  }
0x49: {  	_ =	shalt  }
0x4a: {  	_ =	shalt  }
0x4b: {  	_ =	shalt  }
0x4c: {  	_ =	shalt  }
0x4d: {  	_ =	shalt  }
0x4e: {  	_ =	shalt  }
0x4f: {  	_ =	shalt  }
0x50: {  	_ =	shalt  }
0x51: {  	_ =	shalt  }
0x52: {  	_ =	shalt  }
0x53: {  	_ =	shalt  }
0x54: {  	_ =	shalt  }
0x55: {  	_ =	shalt  }
0x56: {  	_ =	shalt  }
0x57: {  	_ =	shalt  }
0x58: {  	_ =	shalt  }
0x59: {  	_ =	shalt  }
0x5a: {  	_ =	shalt  }
0x5b: {  	_ =	shalt  }
0x5c: {  	_ =	shalt  }
0x5d: {  	_ =	shalt  }
0x5e: {  	_ =	shalt  }
0x5f: {  	_ =	shalt  }
0x60: {  	_ =	shalt  }
0x61: {  	_ =	shalt  }
0x62: {  	_ =	shalt  }
0x63: {  	_ =	shalt  }
0x64: {  	_ =	shalt  }
0x65: {  	_ =	shalt  }
0x66: {  	_ =	shalt  }
0x67: {  	_ =	shalt  }
0x68: {  	_ =	shalt  }
0x69: {  	_ =	shalt  }
0x6a: {  	_ =	shalt  }
0x6b: {  	_ =	shalt  }
0x6c: {  	_ =	shalt  }
0x6d: {  	_ =	shalt  }
0x6e: {  	_ =	shalt  }
0x6f: {  	_ =	shalt  }
0x70: {  	_ =	shalt  }
0x71: {  	_ =	shalt  }
0x72: {  	_ =	shalt  }
0x73: {  	_ =	shalt  }
0x74: {  	_ =	shalt  }
0x75: {  	_ =	shalt  }
0x76: {  	_ =	shalt  }
0x77: {  	_ =	shalt  }
0x78: {  	_ =	shalt  }
0x79: {  	_ =	shalt  }
0x7a: {  	_ =	shalt  }
0x7b: {  	_ =	shalt  }
0x7c: {  	_ =	shalt  }
0x7d: {  	_ =	shalt  }
0x7e: {  	_ =	shalt  }
0x7f: {  	_ =	shalt  }
0x80: {  	_ =	shalt  }
0x81: {  	_ =	shalt  }
0x82: {  	_ =	shalt  }
0x83: {  	_ =	shalt  }
0x84: {  	_ =	shalt  }
0x85: {  	_ =	shalt  }
0x86: {  	_ =	shalt  }
0x87: {  	_ =	shalt  }
.Lfunc_end0:
.L_simem_size_0:
called_computation.2_lowered:
.L_overlay_start_0:
0x88: {  	s2 =	sld [smem:$0x3FD9]  }
0x89: {  	s3 =	sld [smem:$0x3FFE];
	_ =	sdelay $0x1  }
0x8a: {  	s1 =	srdreg.scid  }
0x8b: {  	s0 =	sand.u32 $0x1, s1  }
0x8c: {  	s14 =	sshll.u32 s0, $0xA;
	s2 =	sadd.s32 s3, s2  }
0x8d: {  	s2 =	sadd.s32 s2, s14  }
0x8e: {  	[smem:$0x3FBC] =	sst s2  }
0x8f: {  	_ = 	snop  }
0x90: {  	s2 =	sld [smem:$0x3FD0];
	_ =	sdelay $0x2  }
0x91: {  	s15 =	simm.s32 $0xA;
	s4 =	simm.s32 $0x10  }
0x92: {  	[smem:s4], [sflag:s15] =	dma.local [hbm:s2], $0x1  }
0x93: {  	_ =	swait.eq [sflag:s15], $0x1  }
0x94: {  	[sflag:s15] =	ssyncset.done $0x0  }
0x95: {  	[sflag:s15] =	ssyncadd.s32 $0xFFFFFFFF  }
0x96: {  	s16 =	sld [smem:$0x11];
	(tm) =	ssettm $0x1  }
0x97: {  	s17 =	sld [smem:$0x3FFB];
	_ =	sdelay $0x3  }
0x98: {  	_ =	strace s17  }
0x99: {  	s3 =	sld [smem:$0x3FFC];
	_ =	sdelay $0x3  }
0x9a: {  	_ =	strace s3  }
0x9b: {  	s3 =	sld [smem:$0x3FFD];
	_ =	sdelay $0x3  }
0x9c: {  	_ =	strace s3  }
0x9d: {  	_ =	strace $0x8FFFFFFF  }
0x9e: {  	s18 =	sld [smem:$0x3FDB];
	_ =	sdelay $0x1  }
0x9f: {  	s19 =	simm.s32 $_scs_section_size  }
0xa0: {  	s5 =	simm.s32 $_size__tile_overlayer_lowered;
	s6 =	simm.s32 $_tile_overlayer_lowered  }
0xa1: {  	s22 =	simm.s32 $0x1BFF;
	s21 =	sshll.u32 s6, $0x1;
	s3 =	sadd.s32 s19, s18  }
0xa2: {  	s7 =	simm.s32 $0x0;
	s20 =	sshll.u32 s5, $0x1;
	s5 =	sadd.s32 s21, s3  }
0xa3: {  	[timem:s7], [sflag:s22] =	dma.local [hbm:s5], s20  }
0xa4: {  	_ =	swait.ge [sflag:s22], s20  }
0xa5: {  	s4 =	ssub.s32 $0x0, s20;
	[sflag:s22] =	ssyncset.done $0x0  }
0xa6: {  	[sflag:s22] =	ssyncadd.s32 s4;
	_ =	sdelay $0x1  }
0xa7: {  	s23 =	simm.s32 $0x1B8B  }
0xa8: {  	_ =	swait.ge [sflag:s23], $0x1  }
0xa9: {  	[sflag:s23] =	ssyncset.done $0x0  }
0xaa: {  	s25 =	simm.s32 $0x1B8E;
	s24 =	sld [smem:$0x3FFE];
	[sflag:s23] =	ssyncadd.s32 $0xFFFFFFFF  }
0xab: {  	s26 =	simm.s32 $execute0_lowered;
	[smem:$0x3FD2] =	sst s25  }
0xac: {  	s5 =	sshll.u32 s26, $0x1;
	_ =	strace $0x8000004C;
	[dreg:$0x1] =	wrdreg $0xFFFFFFFF  }
0xad: {  	s28 =	simm.s32 $_size_execute0_lowered;
	s3 =	sadd.s32 s3, s5;
	[dreg:$0x0] =	wrdreg $0x0  }
0xae: {  	s5 =	sshll.u32 s28, $0x1;
	[dreg:$0x2] =	wrdreg s3  }
0xaf: {  	[dreg:$0x3] =	wrdreg s5  }
0xb0: {  	[dreg:$0x4] =	wrdreg $0xC0  }
0xb1: {  	_ =	task [dreg:s7], $0x5FFFF  }
0xb2: {  	[dreg:$0x1] =	wrdreg $0xFFFFFFFF  }
0xb3: {  	[dreg:$0x0] =	wrdreg $0x60  }
0xb4: {  	[dreg:$0x2] =	wrdreg s24  }
0xb5: {  	[dreg:$0x3] =	wrdreg s16  }
0xb6: {  	[dreg:$0x4] =	wrdreg $0x90000  }
0xb7: {  	[dreg:$0x5] =	wrdreg $0x130000  }
0xb8: {  	[dreg:$0x6] =	wrdreg $0x9  }
0xb9: {  	_ =	task.clear_ibuf [dreg:s7], $0x7FFFF;
	_ =	strace $0x9000004C  }
0xba: {  	s29 =	simm.s32 $0x9;
	_ =	strace $0x8000004E  }
0xbb: {  	_ =	swait.ge [sflag:s29], $0x1  }
0xbc: {  	[sflag:s29] =	ssyncadd.s32 $0xFFFFFFFF  }
0xbd: {  	_ =	strace $0x9000004E  }
0xbe: {  	_ =	sfence  }
0xbf: {  	s30 =	sld [smem:$0x0];
	_ =	sdelay $0x2  }
0xc0: {  	s31 =	sshll.u32 s1, $0xD;
	s1 =	sshrl.u32 s1, $0x2  }
0xc1: {  	s3 =	sand.u32 $0x4000, s31;
	s1 =	sadd.s32 s1, s30  }
0xc2: {  	s0 =	sor.u32 s3, s0;
	s1 =	sshll.u32 s1, $0x11  }
0xc3: {  	s0 =	sor.u32 s1, s0  }
0xc4: {  	s0 =	sadd.s32 $0x8F2B, s0  }
0xc5: {  	[sflag:s0] =	ssyncadd.remote.s32 $0x1  }
0xc6: {  	_ =	sfence.sel $0xFFFF  }
0xc7: {  	[dreg:$0x0] =	wrdreg $0xFFFFFFFF;
	(pc) =	sbr.abs _section_cstart, $3  }
0xc8: {  	[dreg:$0x1] =	wrdreg $0xFFFFFFFF  }
0xc9: {  	_ =	task.clear_ibuf [dreg:s7], $0x2FFFF;
	_ =	strace $0x9FFFFFFF  }
0xca: {  	(tm) =	ssettm $0x7FFFFFFF  }
0xcb: {  	_ =	shalt  }
tec
execute0_lowered:
.L_overlay_start_1:
0x0: {  	(tag) =	ssettag $0x1  }
0x1: {  	s5 =	rddreg [dreg:$0x0]  }
0x2: {  	s9 =	rddreg [dreg:$0x1]  }
0x3: {  	s2 =	rddreg [dreg:$0x2]  }
0x4: {  	s3 =	rddreg [dreg:$0x3]  }
0x5: {  	s0 =	rddreg [dreg:$0x4];
	s1 =	stileid.u32  }
0x6: {  	s4 =	simm.s32 $0x0;
	s6 =	srdreg.scid;
	s18 =	simm.s32 $0x5000  }
0x7: {  	s19 =	simm.s32 $0x2800;
	s20 =	simm.s32 $0x80;
	s21 =	simm.s32 $0x1  }
0x8: {  	s22 =	simm.s32 $0x7000;
	s23 =	simm.s32 $0x2880;
	s24 =	simm.s32 $0x2  }
0x9: {  	s28 =	simm.s32 $0x0;
	s11 =	smul.u32 $0xA000, s1;
	[smem:$0x7FF] =	sst s4  }
0xa: {  	s6 =	sand.u32 $0x1, s6;
	s8 =	sshll.u32 s1, $0x1;
	s13 =	smul.u32 $0x28000, s1  }
0xb: {  	s30 =	sshll.u32 s1, $0x6;
	s10 =	smul.u32 $0xA0000, s6;
	_ =	strace $0x8000004D  }
0xc: {  	s8 =	sor.u32 s6, s8;
	s6 =	ssub.s32 $0x2, s6;
	s7 =	sshrl.u32 s11, $0x3  }
0xd: {  	s12 =	smul.u32 $0x500, s8;
	s29 =	sshrl.u32 s6, $0x1;
	s17 =	sadd.s32 s11, s2  }
0xe: {  	s31 =	sshrl.u32 s13, $0x2;
	s25 =	sadd.s32 s11, s3;
	s7 =	sadd.s32 s7, s5  }
0xf: {  	s26 =	sadd.s32 s11, s10;
	s16 =	ssub.s32 s6, s29;
	s6 =	sor.u32 $0x1C03, s30  }
0x10: {  	s25 =	sshrl.u32 s25, $0x3;
	s8 =	sshrl.u32 s26, $0x3;
	s14 =	sadd.s32 s12, s5  }
.Ltmp0:
0x11: {  	s9 =	sadd.s32 s9, s12;
	s11 =	smax.u32 s16, $0x1;
	(pc) =	sbr.rel .LBB2_1-.Ltmp0, $4  }
0x12: {  	s16 =	sshrl.u32 s17, $0x3;
	s17 =	simm.s32 $0x3;
	s26 =	simm.s32 $0x100  }
0x13: {  	s15 =	sadd.s32 s8, s5;
	s5 =	sadd.s32 $0x5D200, s7;
	s7 =	sadd.s32 s31, s3  }
0x14: {  	s8 =	sadd.s32 $0x3200, s14;
	s10 =	sadd.s32 $0x71200, s15;
	s12 =	sadd.s32 $0x2000, s7  }
0x15: {  	v0 =	vimm.f32 $0.0e+00;
	s13 =	sadd.s32 $0x4000, s7;
	s14 =	sadd.s32 $0x6000, s7;
	s15 =	sadd.s32 $0x8000, s7  }
.LBB2_6:
0x16: {  	_ =	swait.ge [sflag:s24], $0x2000  }
0x17: {  	s28 =	sadd.s32 $0x1, s28;
	[sflag:s24] =	ssyncset.done $0x0  }
0x18: {  	p0 =	sne.s32 s28, s11;
	[sflag:s24] =	ssyncadd.s32 $0xFFFFE000  }
.Ltmp1:
0x19: {  	[bflag:$0x0] =	sbarrier.arrive $0xFFFF;
	(pc) =	sbr.rel @!p0 .LBB2_7-.Ltmp1, $4  }
0x1a: {  	[hbm:s10], [sflag:s6] =	dma.local [spmem:s25], $0x1400  }
0x1b: {  	_ =	swait.ge [sflag:s17], $0x1400  }
0x1c: {  	[sflag:s17] =	ssyncset.done $0x0  }
0x1d: {  	[sflag:s17] =	ssyncadd.s32 $0xFFFFEC00  }
.LBB2_1:
0x1e: {  	[spmem:s16], [sflag:s6] =	dma.local [hbm:s5], $0x1400  }
0x1f: {  	_ =	swait.ge [sflag:s17], $0x1400  }
0x20: {  	s30 =	sand.u32 $0x7FC0, s4;
	[sflag:s17] =	ssyncset.done $0x0  }
0x21: {  	s29 =	simm.s32 $0x40;
	s30 =	sshrl.u32 s30, $0x2;
	[sflag:s17] =	ssyncadd.s32 $0xFFFFEC00  }
.LBB2_2:
0x22: {  	p0 =	sne.s32 s29, $0x7FC0;
	[tilespmem:s30+$0x5000] =	vst v0;
	s30 =	smov.u32 s29;
	s29 =	sadd.s32 $0x40, s29  }
.Ltmp2:
0x23: {  	(pc) =	sbr.rel @p0 .LBB2_2-.Ltmp2, $3  }
0x24: {  	_ =	sdelay $0x1  }
0x25: {  	s30 =	sand.u32 $0x7FC0, s30  }
0x26: {  	s30 =	sshrl.u32 s30, $0x2  }
0x27: {  	[tilespmem:s30+$0x5000] =	vst v0  }
0x28: {  	[spmem:s7] =	stream.linear.scatter [tilespmem:s18], [sflag:$0x3], $0x2000, $0x38;
	[tilespmem:$0x1D000] =	vst v63  }
0x29: {  	_ =	swait.ge [sflag:s17], $0x2000  }
0x2a: {  	[sflag:s17] =	ssyncset.done $0x0  }
0x2b: {  	[sflag:s17] =	ssyncadd.s32 $0xFFFFE000  }
0x2c: {  	[spmem:s12] =	stream.linear.scatter [tilespmem:s18], [sflag:$0x3], $0x2000, $0x38;
	[tilespmem:$0x1D000] =	vst v63  }
0x2d: {  	_ =	swait.ge [sflag:s17], $0x2000  }
0x2e: {  	[sflag:s17] =	ssyncset.done $0x0  }
0x2f: {  	[sflag:s17] =	ssyncadd.s32 $0xFFFFE000  }
0x30: {  	[spmem:s13] =	stream.linear.scatter [tilespmem:s18], [sflag:$0x3], $0x2000, $0x38;
	[tilespmem:$0x1D000] =	vst v63  }
0x31: {  	_ =	swait.ge [sflag:s17], $0x2000  }
0x32: {  	[sflag:s17] =	ssyncset.done $0x0  }
0x33: {  	[sflag:s17] =	ssyncadd.s32 $0xFFFFE000  }
0x34: {  	[spmem:s14] =	stream.linear.scatter [tilespmem:s18], [sflag:$0x3], $0x2000, $0x38;
	[tilespmem:$0x1D000] =	vst v63  }
0x35: {  	_ =	swait.ge [sflag:s17], $0x2000  }
0x36: {  	[sflag:s17] =	ssyncset.done $0x0  }
0x37: {  	[sflag:s17] =	ssyncadd.s32 $0xFFFFE000  }
0x38: {  	[spmem:s15] =	stream.linear.scatter [tilespmem:s18], [sflag:$0x3], $0x2000, $0x38;
	[tilespmem:$0x1D000] =	vst v63  }
0x39: {  	_ =	swait.ge [sflag:s17], $0x2000  }
0x3a: {  	[sflag:s17] =	ssyncset.done $0x0  }
0x3b: {  	[sflag:s17] =	ssyncadd.s32 $0xFFFFE000  }
0x3c: {  	[tilespmem:s4], [sflag:$0x3] =	stream.linear.gather [hbm4b:s8+s4], $0x2800, $0x38;
	[tilespmem:$0x1D000] =	vst v63  }
0x3d: {  	_ =	swait.ge [sflag:s17], $0x2800  }
0x3e: {  	[sflag:s17] =	ssyncset.done $0x0  }
0x3f: {  	[sflag:s17] =	ssyncadd.s32 $0xFFFFD800  }
0x40: {  	[tilespmem:s19], [sflag:$0x3] =	stream.linear.gather [hbm4b:s9+s4], $0x2800, $0x38;
	[tilespmem:$0x1D000] =	vst v63  }
0x41: {  	_ =	swait.ge [sflag:s17], $0x2800  }
0x42: {  	[sflag:s17] =	ssyncset.done $0x0  }
0x43: {  	[sflag:s17] =	ssyncadd.s32 $0xFFFFD800  }
0x44: {  	[bflag:$0x0] =	sbarrier.arrive $0xFFFF  }
0x45: {  	[tilespmem:s18], [sflag:$0x1] =	stream.indirect.gather [spmem:s2], $0x40, s4, s20, $0xb8;
	[tilespmem:$0x1D000] =	vst v63  }
0x46: {  	_ =	swait.ge [sflag:s21], $0x2000  }
0x47: {  	[sflag:s21] =	ssyncset.done $0x0  }
0x48: {  	[sflag:s21] =	ssyncadd.s32 $0xFFFFE000  }
0x49: {  	[spmem:s3] =	stream.indirect.scatter.add.f32 [tilespmem:s18], [sflag:$0x2], $0x40, s19, s20, $0xb8;
	[tilespmem:$0x1D000] =	vst v63  }
0x4a: {  	_ = 	snop  }
0x4b: {  	[tilespmem:s22], [sflag:$0x1] =	stream.indirect.gather [spmem:s2], $0x40, s20, s20, $0xb8;
	[tilespmem:$0x1D000] =	vst v63  }
0x4c: {  	_ =	swait.ge [sflag:s21], $0x2000  }
0x4d: {  	[sflag:s21] =	ssyncset.done $0x0  }
0x4e: {  	[sflag:s21] =	ssyncadd.s32 $0xFFFFE000  }
0x4f: {  	[spmem:s3] =	stream.indirect.scatter.add.f32 [tilespmem:s22], [sflag:$0x2], $0x40, s23, s20, $0xb8;
	[tilespmem:$0x1D000] =	vst v63  }
0x50: {  	_ =	swait.ge [sflag:s24], $0x2000  }
0x51: {  	[sflag:s24] =	ssyncset.done $0x0  }
0x52: {  	s29 =	simm.s32 $0xFFFF6800;
	[sflag:s24] =	ssyncadd.s32 $0xFFFFE000  }
0x53: {  	[tilespmem:s18], [sflag:$0x1] =	stream.indirect.gather [spmem:s2], $0x40, s26, s20, $0xb8;
	[tilespmem:$0x1D000] =	vst v63  }
.LBB2_4:
0x54: {  	_ =	swait.ge [sflag:s21], $0x2000  }
0x55: {  	s30 =	sshra.s32 s29, $0x2;
	[sflag:s21] =	ssyncset.done $0x0  }
0x56: {  	s31 =	sadd.s32 $0x4F00, s30;
	[sflag:s21] =	ssyncadd.s32 $0xFFFFE000  }
0x57: {  	[spmem:s3] =	stream.indirect.scatter.add.f32 [tilespmem:s18], [sflag:$0x2], $0x40, s31, s20, $0xb8;
	[tilespmem:$0x1D000] =	vst v63  }
0x58: {  	_ =	swait.ge [sflag:s24], $0x2000  }
0x59: {  	[sflag:s24] =	ssyncset.done $0x0  }
0x5a: {  	s31 =	sadd.s32 $0x2780, s30;
	[sflag:s24] =	ssyncadd.s32 $0xFFFFE000  }
0x5b: {  	[tilespmem:s22], [sflag:$0x1] =	stream.indirect.gather [spmem:s2], $0x40, s31, s20, $0xb8;
	[tilespmem:$0x1D000] =	vst v63  }
0x5c: {  	_ =	swait.ge [sflag:s21], $0x2000  }
0x5d: {  	p0 =	seq.s32 s29, $0x0;
	[sflag:s21] =	ssyncset.done $0x0  }
.Ltmp3:
0x5e: {  	s31 =	sadd.s32 $0x4F80, s30;
	[sflag:s21] =	ssyncadd.s32 $0xFFFFE000;
	(pc) =	sbr.rel @p0 .LBB2_6-.Ltmp3, $4  }
0x5f: {  	[spmem:s3] =	stream.indirect.scatter.add.f32 [tilespmem:s22], [sflag:$0x2], $0x40, s31, s20, $0xb8;
	[tilespmem:$0x1D000] =	vst v63  }
0x60: {  	_ =	swait.ge [sflag:s24], $0x2000  }
0x61: {  	[sflag:s24] =	ssyncset.done $0x0  }
0x62: {  	[sflag:s24] =	ssyncadd.s32 $0xFFFFE000  }
.Ltmp4:
0x63: {  	(pc) =	sbr.rel .LBB2_4-.Ltmp4, $3  }
0x64: {  	_ =	sdelay $0x1  }
0x65: {  	s30 =	sadd.s32 $0x2800, s30;
	s29 =	sadd.s32 $0x400, s29  }
0x66: {  	[tilespmem:s18], [sflag:$0x1] =	stream.indirect.gather [spmem:s2], $0x40, s30, s20, $0xb8;
	[tilespmem:$0x1D000] =	vst v63  }
.LBB2_7:
0x67: {  	_ =	sfence.sel $0x180000  }
0x68: {  	[bflag:$0x0] =	sbarrier.arrive $0xFFFF  }
0x69: {  	p0 =	sne.s32 s1, $0x0;
	_ =	strace $0x9000004D  }
0x6a: {  	s0 =	sadd.s32 @!p0 $0x100000, s0;
	[bflag:$0x2] =	sbarrier.arrive $0xFFFF  }
0x6b: {  	[sflag:s0] =	ssyncadd.tile.s32 @!p0 $0x1;
	_ =	shalt  }
.Lfunc_end2:
_tile_overlayer_lowered:
.L_overlay_start_2:
0x6c: {  	(tag) =	ssettag $0x2  }
0x6d: {  	s0 =	rddreg [dreg:$0x0];
	s2 =	stileid.u32  }
0x6e: {  	s1 =	rddreg [dreg:$0x1];
	p0 =	sne.s32 s2, $0x0  }
0x6f: {  	s3 =	rddreg [dreg:$0x2];
	[bflag:$0x3] =	sbarrier.arrive $0xFFFF;
	s2 =	simm.s32 @!p0 $0x1C03  }
0x70: {  	[timem:s3], [sflag:s2] =	dma.local @!p0 [hbm:s0], s1  }
0x71: {  	s0 =	simm.s32 @!p0 $0x3  }
0x72: {  	_ =	swait.ge @!p0 [sflag:s0], s1  }
0x73: {  	s1 =	ssub.s32 @!p0 $0x0, s1;
	[sflag:s0] =	ssyncset.done @!p0 $0x0  }
0x74: {  	[sflag:s0] =	ssyncadd.s32 @!p0 s1  }
0x75: {  	[bflag:$0x3] =	sbarrier.arrive $0xFFFF  }
0x76: {  	_ =	shalt  }

// kernel: kernel.8.cloned.1.call-start
scs
__scs_entry_jumppad:
0x0: {  	(pc) =	sbr.rel $0x88, $3  }
0x1: {  	(tag) =	ssettag $0x0;
	lr =	simm.s32 $0x1  }
0x2: {  	[smem:$0x3F95] =	sst lr;
	_ =	strace $0xD0000000  }
0x3: {  	_ = 	snop  }
0x4: {  	_ = 	snop  }
0x5: {  	_ = 	snop  }
0x6: {  	_ = 	snop  }
0x7: {  	_ = 	snop  }
__scs_overlays_trampoline_lowered:
0x8: {  	[smem:$0x3FA4] =	sst s0  }
0x9: {  	[smem:$0x3FA5] =	sst s1  }
0xa: {  	[smem:$0x3FA6] =	sst s2  }
0xb: {  	[smem:$0x3FA7] =	sst s3  }
0xc: {  	[smem:$0x3FA8] =	sst s4  }
0xd: {  	[smem:$0x3FA9] =	sst s5  }
0xe: {  	[smem:$0x3FAA] =	sst s6  }
0xf: {  	[smem:$0x3FAB] =	sst s7  }
0x10: {  	[smem:$0x3FAC] =	sst s8  }
0x11: {  	[smem:$0x3FAD] =	sst s9;
	s0 =	simm.s32 @!p0 $0x0  }
0x12: {  	s1 =	sld [smem:$0x3F93];
	s0 =	simm.s32 @p0 $0x1  }
0x13: {  	[smem:$0x3FAE] =	sst s0;
	s0 =	simm.s32 @!p1 $0x0  }
0x14: {  	s2 =	sld [smem:$0x3F92];
	s0 =	simm.s32 @p1 $0x1  }
0x15: {  	[smem:$0x3FAF] =	sst s0;
	s0 =	simm.s32 @!p2 $0x0  }
0x16: {  	s3 =	sld [smem:$0x3FDB];
	s0 =	simm.s32 @p2 $0x1  }
0x17: {  	s4 =	simm.s32 $0x1BF5;
	[smem:$0x3FB1] =	sst s0  }
0x18: {  	s0 =	sld [smem:$0x3F94];
	_ =	swait.ge [sflag:s4], $0x0  }
0x19: {  	s7 =	sld [smem:$0x3F95]  }
0x1a: {  	s8 =	sadd.s32 $0xFFFFE003, lr  }
0x1b: {  	s9 =	sadd.s32 $0xFFFFFEF7, lr;
	s5 =	simm.s32 $0xFFFFFFFF;
	p2 =	slt.u32 s8, $0xFFFFF086  }
0x1c: {  	p1 =	slt.u32 s9, $0xF7A;
	s5 =	simm.s32 @!p2 $0x0  }
0x1d: {  	s5 =	simm.s32 @p1 $0x1;
	p0 =	seq.s32 s7, s2  }
0x1e: {  	s7 =	smul.u32 @!p0 $0xF7A, s2;
	p2 =	seq.s32 @!p0 s5, $0x0  }
0x1f: {  	s9 =	smul.u32 $0xF7A, s1;
	s8 =	simm.s32 @!p0 $0x1BF5;
	p2 =	por !p2, p0  }
0x20: {  	[sflag:s8] =	ssyncset.s32 @!p0 $0xFFFFF086;
	s6 =	sadd.s32 @!p0 s3, s7;
	s7 =	simm.s32 @!p0 $0x108  }
0x21: {  	s3 =	sadd.s32 s3, s9;
	s6 =	sadd.s32 @!p0 $0x88, s6;
	s7 =	simm.s32 @p2 $0x1082  }
0x22: {  	[simem:s7], [sflag:s8] =	dma.local @!p0 [hbm:s6], $0xF7A  }
0x23: {  	s9 =	sor.u32 $0xD0000000, s2;
	s6 =	simm.s32 $0x108;
	_ =	swait.ge @!p0 [sflag:s8], $0x0  }
0x24: {  	s3 =	sadd.s32 $0x88, s3;
	s6 =	simm.s32 @!p1 $0x1082;
	[sflag:s4] =	ssyncset.s32 $0xFFFFF086  }
0x25: {  	[simem:s6], [sflag:s4] =	dma.local [hbm:s3], $0xF7A  }
0x26: {  	[smem:$0x3F95] =	sst s1;
	(tag) =	ssettag s2;
	_ =	strace s9  }
0x27: {  	s1 =	sld [smem:$0x3FA5]  }
0x28: {  	s2 =	sld [smem:$0x3FA6]  }
0x29: {  	s4 =	sld [smem:$0x3FA8]  }
0x2a: {  	p0 =	seq.s32 s5, $0x0;
	s5 =	sld [smem:$0x3FA9]  }
0x2b: {  	s6 =	sld [smem:$0x3FAA]  }
0x2c: {  	s7 =	sld [smem:$0x3FAB]  }
0x2d: {  	s3 =	simm.s32 $0x108;
	s8 =	sld [smem:$0x3FAC]  }
0x2e: {  	s3 =	simm.s32 @!p0 $0x1082;
	s9 =	sld [smem:$0x3FAD]  }
0x2f: {  	lr =	sadd.s32 s0, s3;
	s0 =	sld [smem:$0x3FA4]  }
0x30: {  	s3 =	sld [smem:$0x3FA7]  }
0x31: {  	[smem:$0x3FB0] =	sst s10  }
0x32: {  	s10 =	sld [smem:$0x3FAE];
	_ =	sdelay $0x3  }
0x33: {  	p0 =	seq.s32 s10, $0x1;
	s10 =	sld [smem:$0x3FB0];
	_ =	sdelay $0x3  }
0x34: {  	[smem:$0x3FB0] =	sst s10  }
0x35: {  	s10 =	sld [smem:$0x3FAF];
	_ =	sdelay $0x3  }
0x36: {  	p1 =	seq.s32 s10, $0x1;
	s10 =	sld [smem:$0x3FB0];
	_ =	sdelay $0x3  }
0x37: {  	[smem:$0x3FB0] =	sst s10  }
0x38: {  	s10 =	sld [smem:$0x3FB1]  }
0x39: {  	_ = 	snop;
	(pc) =	sbr.ind lr, $3  }
0x3a: {  	_ = 	snop  }
0x3b: {  	_ = 	snop  }
0x3c: {  	p2 =	seq.s32 s10, $0x1;
	s10 =	sld [smem:$0x3FB0]  }
0x3d: {  	_ =	shalt  }
0x3e: {  	_ =	shalt  }
0x3f: {  	_ =	shalt  }
0x40: {  	_ =	shalt  }
0x41: {  	_ =	shalt  }
0x42: {  	_ =	shalt  }
0x43: {  	_ =	shalt  }
0x44: {  	_ =	shalt  }
0x45: {  	_ =	shalt  }
0x46: {  	_ =	shalt  }
0x47: {  	_ =	shalt  }
0x48: {  	_ =	shalt  }
0x49: {  	_ =	shalt  }
0x4a: {  	_ =	shalt  }
0x4b: {  	_ =	shalt  }
0x4c: {  	_ =	shalt  }
0x4d: {  	_ =	shalt  }
0x4e: {  	_ =	shalt  }
0x4f: {  	_ =	shalt  }
0x50: {  	_ =	shalt  }
0x51: {  	_ =	shalt  }
0x52: {  	_ =	shalt  }
0x53: {  	_ =	shalt  }
0x54: {  	_ =	shalt  }
0x55: {  	_ =	shalt  }
0x56: {  	_ =	shalt  }
0x57: {  	_ =	shalt  }
0x58: {  	_ =	shalt  }
0x59: {  	_ =	shalt  }
0x5a: {  	_ =	shalt  }
0x5b: {  	_ =	shalt  }
0x5c: {  	_ =	shalt  }
0x5d: {  	_ =	shalt  }
0x5e: {  	_ =	shalt  }
0x5f: {  	_ =	shalt  }
0x60: {  	_ =	shalt  }
0x61: {  	_ =	shalt  }
0x62: {  	_ =	shalt  }
0x63: {  	_ =	shalt  }
0x64: {  	_ =	shalt  }
0x65: {  	_ =	shalt  }
0x66: {  	_ =	shalt  }
0x67: {  	_ =	shalt  }
0x68: {  	_ =	shalt  }
0x69: {  	_ =	shalt  }
0x6a: {  	_ =	shalt  }
0x6b: {  	_ =	shalt  }
0x6c: {  	_ =	shalt  }
0x6d: {  	_ =	shalt  }
0x6e: {  	_ =	shalt  }
0x6f: {  	_ =	shalt  }
0x70: {  	_ =	shalt  }
0x71: {  	_ =	shalt  }
0x72: {  	_ =	shalt  }
0x73: {  	_ =	shalt  }
0x74: {  	_ =	shalt  }
0x75: {  	_ =	shalt  }
0x76: {  	_ =	shalt  }
0x77: {  	_ =	shalt  }
0x78: {  	_ =	shalt  }
0x79: {  	_ =	shalt  }
0x7a: {  	_ =	shalt  }
0x7b: {  	_ =	shalt  }
0x7c: {  	_ =	shalt  }
0x7d: {  	_ =	shalt  }
0x7e: {  	_ =	shalt  }
0x7f: {  	_ =	shalt  }
0x80: {  	_ =	shalt  }
0x81: {  	_ =	shalt  }
0x82: {  	_ =	shalt  }
0x83: {  	_ =	shalt  }
0x84: {  	_ =	shalt  }
0x85: {  	_ =	shalt  }
0x86: {  	_ =	shalt  }
0x87: {  	_ =	shalt  }
.Lfunc_end0:
.L_simem_size_0:
called_computation_lowered:
.L_overlay_start_0:
0x88: {  	s2 =	sld [smem:$0x3FD9]  }
0x89: {  	s3 =	sld [smem:$0x3FFE];
	_ =	sdelay $0x1  }
0x8a: {  	s1 =	srdreg.scid  }
0x8b: {  	s0 =	sand.u32 $0x1, s1  }
0x8c: {  	s14 =	sshll.u32 s0, $0xA;
	s2 =	sadd.s32 s3, s2  }
0x8d: {  	s2 =	sadd.s32 s2, s14  }
0x8e: {  	[smem:$0x3FBC] =	sst s2  }
0x8f: {  	_ = 	snop  }
0x90: {  	s2 =	sld [smem:$0x3FD0];
	_ =	sdelay $0x2  }
0x91: {  	s15 =	simm.s32 $0xA;
	s4 =	simm.s32 $0x10  }
0x92: {  	[smem:s4], [sflag:s15] =	dma.local [hbm:s2], $0x1  }
0x93: {  	_ =	swait.eq [sflag:s15], $0x1  }
0x94: {  	[sflag:s15] =	ssyncset.done $0x0  }
0x95: {  	[sflag:s15] =	ssyncadd.s32 $0xFFFFFFFF  }
0x96: {  	s16 =	sld [smem:$0x11];
	(tm) =	ssettm $0x1  }
0x97: {  	s17 =	sld [smem:$0x3FFB];
	_ =	sdelay $0x3  }
0x98: {  	_ =	strace s17  }
0x99: {  	s3 =	sld [smem:$0x3FFC];
	_ =	sdelay $0x3  }
0x9a: {  	_ =	strace s3  }
0x9b: {  	s3 =	sld [smem:$0x3FFD];
	_ =	sdelay $0x3  }
0x9c: {  	_ =	strace s3  }
0x9d: {  	_ =	strace $0x8FFFFFFF  }
0x9e: {  	s18 =	sld [smem:$0x3FDB];
	_ =	sdelay $0x1  }
0x9f: {  	s19 =	simm.s32 $_scs_section_size  }
0xa0: {  	s5 =	simm.s32 $_size__tile_overlayer_lowered;
	s6 =	simm.s32 $_tile_overlayer_lowered  }
0xa1: {  	s22 =	simm.s32 $0x1BFF;
	s21 =	sshll.u32 s6, $0x1;
	s3 =	sadd.s32 s19, s18  }
0xa2: {  	s7 =	simm.s32 $0x0;
	s20 =	sshll.u32 s5, $0x1;
	s5 =	sadd.s32 s21, s3  }
0xa3: {  	[timem:s7], [sflag:s22] =	dma.local [hbm:s5], s20  }
0xa4: {  	_ =	swait.ge [sflag:s22], s20  }
0xa5: {  	s4 =	ssub.s32 $0x0, s20;
	[sflag:s22] =	ssyncset.done $0x0  }
0xa6: {  	[sflag:s22] =	ssyncadd.s32 s4;
	_ =	sdelay $0x1  }
0xa7: {  	s23 =	simm.s32 $0x1B8B  }
0xa8: {  	_ =	swait.ge [sflag:s23], $0x1  }
0xa9: {  	[sflag:s23] =	ssyncset.done $0x0  }
0xaa: {  	s25 =	simm.s32 $0x1B8E;
	s24 =	sld [smem:$0x3FFE];
	[sflag:s23] =	ssyncadd.s32 $0xFFFFFFFF  }
0xab: {  	s26 =	simm.s32 $execute0_lowered;
	[smem:$0x3FD2] =	sst s25  }
0xac: {  	s5 =	sshll.u32 s26, $0x1;
	_ =	strace $0x80000046;
	[dreg:$0x1] =	wrdreg $0xFFFFFFFF  }
0xad: {  	s28 =	simm.s32 $_size_execute0_lowered;
	s3 =	sadd.s32 s3, s5;
	[dreg:$0x0] =	wrdreg $0x0  }
0xae: {  	s5 =	sshll.u32 s28, $0x1;
	[dreg:$0x2] =	wrdreg s3  }
0xaf: {  	[dreg:$0x3] =	wrdreg s5  }
0xb0: {  	[dreg:$0x4] =	wrdreg $0xC0  }
0xb1: {  	_ =	task [dreg:s7], $0x5FFFF  }
0xb2: {  	[dreg:$0x1] =	wrdreg $0xFFFFFFFF  }
0xb3: {  	[dreg:$0x0] =	wrdreg $0x60  }
0xb4: {  	[dreg:$0x2] =	wrdreg s16  }
0xb5: {  	[dreg:$0x3] =	wrdreg s24  }
0xb6: {  	[dreg:$0x4] =	wrdreg $0x2B000  }
0xb7: {  	[dreg:$0x5] =	wrdreg $0x9  }
0xb8: {  	_ =	task.clear_ibuf [dreg:s7], $0x6FFFF;
	_ =	strace $0x90000046  }
0xb9: {  	s29 =	simm.s32 $0x9;
	_ =	strace $0x80000048  }
0xba: {  	_ =	swait.ge [sflag:s29], $0x1  }
0xbb: {  	[sflag:s29] =	ssyncadd.s32 $0xFFFFFFFF  }
0xbc: {  	_ =	strace $0x90000048  }
0xbd: {  	_ =	sfence  }
0xbe: {  	s30 =	sld [smem:$0x0];
	_ =	sdelay $0x2  }
0xbf: {  	s31 =	sshll.u32 s1, $0xD;
	s1 =	sshrl.u32 s1, $0x2  }
0xc0: {  	s3 =	sand.u32 $0x4000, s31;
	s1 =	sadd.s32 s1, s30  }
0xc1: {  	s0 =	sor.u32 s3, s0;
	s1 =	sshll.u32 s1, $0x11  }
0xc2: {  	s0 =	sor.u32 s1, s0  }
0xc3: {  	s0 =	sadd.s32 $0x8F2B, s0  }
0xc4: {  	[sflag:s0] =	ssyncadd.remote.s32 $0x1  }
0xc5: {  	_ =	sfence.sel $0xFFFF  }
0xc6: {  	[dreg:$0x0] =	wrdreg $0xFFFFFFFF;
	(pc) =	sbr.abs _section_cstart, $3  }
0xc7: {  	[dreg:$0x1] =	wrdreg $0xFFFFFFFF  }
0xc8: {  	_ =	task.clear_ibuf [dreg:s7], $0x2FFFF;
	_ =	strace $0x9FFFFFFF  }
0xc9: {  	(tm) =	ssettm $0x7FFFFFFF  }
tec
execute0_lowered:
.L_overlay_start_1:
0x0: {  	(tag) =	ssettag $0x1  }
0x1: {  	s5 =	rddreg [dreg:$0x0]  }
0x2: {  	s4 =	rddreg [dreg:$0x1]  }
0x3: {  	s2 =	rddreg [dreg:$0x2]  }
0x4: {  	s0 =	rddreg [dreg:$0x3]  }
0x5: {  	s6 =	srdreg.scid;
	s1 =	stileid.u32;
	s3 =	simm.s32 $0x0  }
0x6: {  	s11 =	simm.s32 $0x2800;
	s12 =	simm.s32 $0x1;
	s15 =	simm.s32 $0x0  }
0x7: {  	s6 =	sand.u32 $0x1, s6;
	s7 =	smul.u32 $0x280, s1;
	[smem:$0x7FF] =	sst s3  }
0x8: {  	s9 =	sshll.u32 s1, $0x1;
	s13 =	sshll.u32 s1, $0x6;
	s8 =	smul.u32 $0x2800, s6  }
0x9: {  	_ =	strace $0x80000047;
	s10 =	ssub.s32 $0x2, s6;
	s6 =	sor.u32 s6, s9  }
0xa: {  	s31 =	sshrl.u32 s10, $0x1;
	s6 =	smul.u32 $0x500, s6;
	s8 =	sadd.s32 s7, s8  }
0xb: {  	s13 =	sor.u32 $0x1C02, s13;
	s9 =	ssub.s32 s10, s31;
	s8 =	sshrl.u32 s8, $0x3  }
0xc: {  	s10 =	simm.s32 $0x80;
	s5 =	sadd.s32 s5, s6;
	s8 =	sadd.s32 s8, s4  }
0xd: {  	s4 =	sadd.s32 s7, s2;
	s7 =	smax.u32 s9, $0x1;
	s9 =	simm.s32 $0x2  }
0xe: {  	v0 =	vimm.f32 $1.000000000e+00;
	v1 =	vimm.f32 $0.0e+00;
	s6 =	sadd.s32 $0x2800, s8;
	s8 =	simm.s32 $0x2880;
	s14 =	sshrl.u32 s4, $0x3  }
.LBB2_1:
0xf: {  	[tilespmem:$0x2800] =	vst v0  }
0x10: {  	[tilespmem:$0x2810] =	vst v0  }
0x11: {  	[tilespmem:$0x2820] =	vst v0  }
0x12: {  	[tilespmem:$0x2830] =	vst v0  }
0x13: {  	[tilespmem:$0x2840] =	vst v0  }
0x14: {  	[tilespmem:$0x2850] =	vst v0  }
0x15: {  	[tilespmem:$0x2860] =	vst v0  }
0x16: {  	[tilespmem:$0x2870] =	vst v0  }
0x17: {  	[tilespmem:$0x2880] =	vst v1  }
0x18: {  	[tilespmem:$0x2890] =	vst v1  }
0x19: {  	[tilespmem:$0x28A0] =	vst v1  }
0x1a: {  	[tilespmem:$0x28B0] =	vst v1  }
0x1b: {  	[tilespmem:$0x28C0] =	vst v1  }
0x1c: {  	[tilespmem:$0x28D0] =	vst v1  }
0x1d: {  	[tilespmem:$0x28E0] =	vst v1  }
0x1e: {  	[tilespmem:$0x28F0] =	vst v1  }
0x1f: {  	[tilespmem:$0x2900] =	vst v1  }
0x20: {  	[tilespmem:$0x2910] =	vst v1  }
0x21: {  	[tilespmem:$0x2920] =	vst v1  }
0x22: {  	[tilespmem:$0x2930] =	vst v1  }
0x23: {  	[tilespmem:$0x2940] =	vst v1  }
0x24: {  	[tilespmem:$0x2950] =	vst v1  }
0x25: {  	[tilespmem:$0x2960] =	vst v1  }
0x26: {  	[tilespmem:$0x2970] =	vst v1  }
0x27: {  	[tilespmem:$0x2980] =	vst v1  }
0x28: {  	[tilespmem:$0x2990] =	vst v1  }
0x29: {  	[tilespmem:$0x29A0] =	vst v1  }
0x2a: {  	[tilespmem:$0x29B0] =	vst v1  }
0x2b: {  	[tilespmem:$0x29C0] =	vst v1  }
0x2c: {  	[tilespmem:$0x29D0] =	vst v1  }
0x2d: {  	[tilespmem:$0x29E0] =	vst v1  }
0x2e: {  	[tilespmem:$0x29F0] =	vst v1  }
0x2f: {  	[tilespmem:$0x2A00] =	vst v1  }
0x30: {  	[tilespmem:$0x2A10] =	vst v1  }
0x31: {  	[tilespmem:$0x2A20] =	vst v1  }
0x32: {  	[tilespmem:$0x2A30] =	vst v1  }
0x33: {  	[tilespmem:$0x2A40] =	vst v1  }
0x34: {  	[tilespmem:$0x2A50] =	vst v1  }
0x35: {  	[tilespmem:$0x2A60] =	vst v1  }
0x36: {  	[tilespmem:$0x2A70] =	vst v1  }
0x37: {  	[tilespmem:$0x2A80] =	vst v1  }
0x38: {  	[tilespmem:$0x2A90] =	vst v1  }
0x39: {  	[tilespmem:$0x2AA0] =	vst v1  }
0x3a: {  	[tilespmem:$0x2AB0] =	vst v1  }
0x3b: {  	[tilespmem:$0x2AC0] =	vst v1  }
0x3c: {  	[tilespmem:$0x2AD0] =	vst v1  }
0x3d: {  	[tilespmem:$0x2AE0] =	vst v1  }
0x3e: {  	[tilespmem:$0x2AF0] =	vst v1  }
0x3f: {  	[spmem:s4] =	stream.linear.scatter [tilespmem:s8], [sflag:$0x2], $0x280, $0x38;
	[tilespmem:$0x2D80] =	vst v63  }
0x40: {  	_ =	swait.ge [sflag:s9], $0x280  }
0x41: {  	[sflag:s9] =	ssyncset.done $0x0  }
0x42: {  	[sflag:s9] =	ssyncadd.s32 $0xFFFFFD80  }
0x43: {  	[tilespmem:s3], [sflag:$0x2] =	stream.linear.gather [hbm4b:s5+s3], $0x2800, $0x38;
	[tilespmem:$0x2D80] =	vst v63  }
0x44: {  	_ =	swait.ge [sflag:s9], $0x2800  }
0x45: {  	[sflag:s9] =	ssyncset.done $0x0  }
0x46: {  	p0 =	por $0x1, $0x1;
	[sflag:s9] =	ssyncadd.s32 $0xFFFFD800  }
0x47: {  	s18 =	simm.s32 @!p0 $0x1;
	[bflag:$0x0] =	sbarrier.arrive $0xFFFF  }
0x48: {  	[spmem:s2] =	stream.indirect.scatter.add.f32 [tilespmem:s11], [sflag:$0x1], $0x1, s3, s10, $0xb8;
	[tilespmem:$0x2D80] =	vst v63  }
0x49: {  	_ =	swait.ge @!p0 [sflag:s18], $0x80  }
0x4a: {  	s16 =	simm.s32 $0x1;
	s17 =	simm.s32 $0x0;
	[sflag:s18] =	ssyncset.done @!p0 $0x0  }
.LBB2_2:
0x4b: {  	[sflag:s18] =	ssyncadd.s32 @!p0 $0xFFFFFF80  }
0x4c: {  	s17 =	sadd.s32 $0x80, s17;
	s18 =	smov.u32 s16;
	s16 =	sadd.s32 $0x1, s16  }
0x4d: {  	p1 =	sne.s32 s16, $0x50  }
0x4e: {  	[spmem:s2] =	stream.indirect.scatter.add.f32 [tilespmem:s11], [sflag:$0x1], $0x1, s17, s10, $0xb8;
	[tilespmem:$0x2D80] =	vst v63  }
.Ltmp0:
0x4f: {  	_ = 	snop;
	(pc) =	sbr.rel @p1 .LBB2_2-.Ltmp0, $4  }
0x50: {  	p0 =	slt.u32 s18, $0x8  }
0x51: {  	s18 =	simm.s32 @!p0 $0x1  }
0x52: {  	_ =	swait.ge @!p0 [sflag:s18], $0x80  }
0x53: {  	[sflag:s18] =	ssyncset.done @!p0 $0x0  }
0x54: {  	[sflag:s18] =	ssyncadd.s32 @!p0 $0xFFFFFF80  }
0x55: {  	_ =	swait.ge [sflag:s12], $0x80  }
0x56: {  	[sflag:s12] =	ssyncset.done $0x0  }
0x57: {  	[sflag:s12] =	ssyncadd.s32 $0xFFFFFF80  }
0x58: {  	_ =	swait.ge [sflag:s12], $0x80  }
0x59: {  	[sflag:s12] =	ssyncset.done $0x0  }
0x5a: {  	[sflag:s12] =	ssyncadd.s32 $0xFFFFFF80  }
0x5b: {  	_ =	swait.ge [sflag:s12], $0x80  }
0x5c: {  	[sflag:s12] =	ssyncset.done $0x0  }
0x5d: {  	[sflag:s12] =	ssyncadd.s32 $0xFFFFFF80  }
0x5e: {  	_ =	swait.ge [sflag:s12], $0x80  }
0x5f: {  	[sflag:s12] =	ssyncset.done $0x0  }
0x60: {  	[sflag:s12] =	ssyncadd.s32 $0xFFFFFF80  }
0x61: {  	_ =	swait.ge [sflag:s12], $0x80  }
0x62: {  	[sflag:s12] =	ssyncset.done $0x0  }
0x63: {  	[sflag:s12] =	ssyncadd.s32 $0xFFFFFF80  }
0x64: {  	_ =	swait.ge [sflag:s12], $0x80  }
0x65: {  	[sflag:s12] =	ssyncset.done $0x0  }
0x66: {  	[sflag:s12] =	ssyncadd.s32 $0xFFFFFF80  }
0x67: {  	_ =	swait.ge [sflag:s12], $0x80  }
0x68: {  	[sflag:s12] =	ssyncset.done $0x0  }
0x69: {  	[sflag:s12] =	ssyncadd.s32 $0xFFFFFF80  }
0x6a: {  	_ =	swait.ge [sflag:s12], $0x80  }
0x6b: {  	s15 =	sadd.s32 $0x1, s15;
	[sflag:s12] =	ssyncset.done $0x0  }
0x6c: {  	p0 =	sne.s32 s15, s7;
	[sflag:s12] =	ssyncadd.s32 $0xFFFFFF80  }
.Ltmp1:
0x6d: {  	[bflag:$0x0] =	sbarrier.arrive $0xFFFF;
	(pc) =	sbr.rel @p0 .LBB2_1-.Ltmp1, $4  }
0x6e: {  	[hbm:s6], [sflag:s13] =	dma.local [spmem:s14], $0x50  }
0x6f: {  	_ =	swait.ge [sflag:s9], $0x50  }
0x70: {  	[sflag:s9] =	ssyncset.done $0x0  }
0x71: {  	[sflag:s9] =	ssyncadd.s32 $0xFFFFFFB0  }
0x72: {  	_ =	sfence.sel $0x180000  }
0x73: {  	[bflag:$0x0] =	sbarrier.arrive $0xFFFF  }
0x74: {  	p0 =	sne.s32 s1, $0x0;
	_ =	strace $0x90000047  }
0x75: {  	s0 =	sadd.s32 @!p0 $0x100000, s0;
	[bflag:$0x2] =	sbarrier.arrive $0xFFFF  }
0x76: {  	[sflag:s0] =	ssyncadd.tile.s32 @!p0 $0x1;
	_ =	shalt  }
.Lfunc_end2:
_tile_overlayer_lowered:
.L_overlay_start_2:
0x77: {  	(tag) =	ssettag $0x2  }
0x78: {  	s0 =	rddreg [dreg:$0x0];
	s2 =	stileid.u32  }
0x79: {  	s1 =	rddreg [dreg:$0x1];
	p0 =	sne.s32 s2, $0x0  }
0x7a: {  	s3 =	rddreg [dreg:$0x2];
	[bflag:$0x3] =	sbarrier.arrive $0xFFFF;
	s2 =	simm.s32 @!p0 $0x1C02  }
0x7b: {  	[timem:s3], [sflag:s2] =	dma.local @!p0 [hbm:s0], s1  }
0x7c: {  	s0 =	simm.s32 @!p0 $0x2  }
0x7d: {  	_ =	swait.ge @!p0 [sflag:s0], s1  }
0x7e: {  	s1 =	ssub.s32 @!p0 $0x0, s1;
	[sflag:s0] =	ssyncset.done @!p0 $0x0  }
0x7f: {  	[sflag:s0] =	ssyncadd.s32 @!p0 s1  }
0x80: {  	[bflag:$0x3] =	sbarrier.arrive $0xFFFF  }
0x81: {  	_ =	shalt  }

</sc_bundles>
